<compile_context>
chip_gen: v7x
topology: tpu7x:2x2x1
jax: 0.10.2.dev20260603
libtpu: 0.0.44.dev20260713+nightly
codegen_flags: <defaults>
</compile_context>

<pallas_src>
import functools

import jax
import jax.numpy as jnp
from jax import lax
from jax.experimental import pallas as pl
from jax.experimental.pallas import tpu as pltpu
from jax.experimental.pallas import tpu_sc as plsc

N = 16384
D = 64
K = 8192
BETA = 0.25

BN = 256
NB = N // BN
BK = 512
NKH = (K // BK) // 2

NC = 2
NS = 16
NW = NC * NS
TPW = N // NW
GSZ = 128
NG = TPW // GSZ


def _tc_body(x_ref, x2_ref, cb_ref, c2_ref, idx_ref, loss_ref):
    i = pl.program_id(0)
    xb = x_ref[...]
    x2 = x2_ref[...]

    halves = []
    for h in range(2):
        best = jnp.full((BN, 1), jnp.inf, dtype=jnp.float32)
        bchunk = jnp.zeros((BN, 1), dtype=jnp.int32)
        btile = jnp.full((BN, BK), jnp.inf, dtype=jnp.float32)
        for kk in range(NKH):
            k = h * NKH + kk
            cbk = cb_ref[pl.ds(k * BK, BK), :]
            m = lax.dot_general(
                xb, cbk, (((1,), (1,)), ((), ())),
                preferred_element_type=jnp.float32)
            val = (x2 - 2.0 * m) + c2_ref[:, pl.ds(k * BK, BK)]
            lmin = jnp.min(val, axis=1, keepdims=True)
            upd = lmin < best
            best = jnp.where(upd, lmin, best)
            bchunk = jnp.where(upd, k, bchunk)
            btile = jnp.where(upd, val, btile)
        cols = lax.broadcasted_iota(jnp.int32, (BN, BK), 1)
        larg = jnp.min(
            jnp.where(btile == best, cols, K),
            axis=1, keepdims=True)
        halves.append((best, bchunk * BK + larg))

    (v0, i0), (v1, i1) = halves
    v0b = v0.astype(jnp.bfloat16).astype(jnp.float32)
    take1 = v1 < v0b
    idx_ref[...] = jnp.where(take1, i1, i0)
    chosen = jnp.where(take1, v1, v0)

    @pl.when(i == 0)
    def _():
        loss_ref[0, 0] = 0.0

    loss_ref[0, 0] += jnp.sum(chosen)

    @pl.when(i == NB - 1)
    def _():
        loss_ref[0, 0] = loss_ref[0, 0] * (BETA / (N * D))


_tc_call = pl.pallas_call(
    _tc_body,
    grid=(NB,),
    in_specs=[
        pl.BlockSpec((BN, D), lambda i: (i, 0)),
        pl.BlockSpec((BN, 1), lambda i: (i, 0)),
        pl.BlockSpec((K, D), lambda i: (0, 0)),
        pl.BlockSpec((1, K), lambda i: (0, 0)),
    ],
    out_specs=[
        pl.BlockSpec((BN, 1), lambda i: (i, 0)),
        pl.BlockSpec(memory_space=pltpu.SMEM),
    ],
    out_shape=[
        jax.ShapeDtypeStruct((N, 1), jnp.int32),
        jax.ShapeDtypeStruct((1, 1), jnp.float32),
    ],
)


def _sc_body(cb_hbm, idx_hbm, out_hbm,
             i0, i1, i2, i3, r0, r1, r2, r3, sem):
    wid = lax.axis_index("s") * NC + lax.axis_index("c")
    base = wid * TPW
    idx_refs = [i0, i1, i2, i3]
    row_refs = [r0, r1, r2, r3]
    for j in range(NG):
        pltpu.sync_copy(idx_hbm.at[pl.ds(base + j * GSZ, GSZ)], idx_refs[j])
    copies = [
        pltpu.async_copy(cb_hbm.at[idx_refs[j]], row_refs[j], sem)
        for j in range(NG)
    ]
    for c in copies:
        c.wait()
    for j in range(NG):
        pltpu.sync_copy(row_refs[j], out_hbm.at[pl.ds(base + j * GSZ, GSZ)])


@functools.cache
def _sc_call():
    return functools.partial(
        pl.kernel,
        out_type=jax.ShapeDtypeStruct((N, D), jnp.float32),
        mesh=plsc.VectorSubcoreMesh(
            core_axis_name="c", subcore_axis_name="s",
            num_cores=NC, num_subcores=NS),
        scratch_types=(
            [pltpu.VMEM((GSZ,), jnp.int32) for _ in range(NG)]
            + [pltpu.VMEM((GSZ, D), jnp.float32) for _ in range(NG)]
            + [pltpu.SemaphoreType.DMA]
        ),
        compiler_params=pltpu.CompilerParams(use_tc_tiling_on_sc=False),
    )(_sc_body)


def kernel(x, codebook):
    x2 = jnp.sum(x * x, axis=1, keepdims=True)
    c2 = jnp.sum(codebook * codebook, axis=1)[None, :]
    idx2, loss = _tc_call(x, x2, codebook, c2)
    indices = idx2.reshape(N)
    quantized = _sc_call()(codebook, indices)
    return quantized, indices, loss.reshape(())

# --- scband reference (transcript-rebuilt; emitter-appended) ---
"""Pipeline reference for scband-vector-quantizer-ema-87883620811551 (READ-ONLY COPY).

The authoritative reference and input builder live on the scoring server;
editing this copy changes nothing except your own understanding.
"""

import jax, jax.numpy as jnp
import numpy as np

CODEBOOK_SIZE = 8192
EMBED_DIM = 64
N_TOKENS = 16384
BETA = 0.25


def setup_inputs(seed: int = 0) -> dict:
    key = jax.random.key(seed)
    k1, k2 = jax.random.split(key)
    x = jax.random.normal(k1, (N_TOKENS, EMBED_DIM), dtype=jnp.float32)
    # nn.Embedding weight initialized uniform(-1/K, 1/K) as in the torch module
    codebook = jax.random.uniform(
        k2, (CODEBOOK_SIZE, EMBED_DIM), dtype=jnp.float32,
        minval=-1.0 / CODEBOOK_SIZE, maxval=1.0 / CODEBOOK_SIZE)
    return {"x": x, "codebook": codebook}


def reference(x, codebook):
    # torch.cdist(x, codebook) followed by argmin over dim=1.
    # argmin of L2 distance == argmin of squared L2 distance.
    x2 = jnp.sum(x * x, axis=1, keepdims=True)            # [N, 1]
    c2 = jnp.sum(codebook * codebook, axis=1)[None, :]     # [1, K]
    d2 = x2 - 2.0 * (x @ codebook.T) + c2                  # [N, K]
    indices = jnp.argmin(d2, axis=1)                       # [N]
    q = jnp.take(codebook, indices, axis=0)                # embedding lookup [N, D]
    # straight-through estimator: quantized = x + (q - x).detach()
    quantized = x + jax.lax.stop_gradient(q - x)
    # commitment_loss = mse(x, quantized.detach()); final_loss = beta * commitment_loss
    commitment_loss = jnp.mean((x - jax.lax.stop_gradient(quantized)) ** 2)
    final_loss = BETA * commitment_loss
    # eval mode: no EMA update / dead-code reset; usage_rate = 0.0 buffer stat (non-tensor)
    return quantized, indices, final_loss

if __name__ == "__main__":
    import jax
    _d = setup_inputs()
    print(jax.jit(kernel)(*tuple(_d.values())))

</pallas_src>

<mosaic_0001>
#map = affine_map<(d0, d1) -> (0, 0)>
#map1 = affine_map<(d0, d1) -> (0)>
module attributes {stable_mosaic.version = 14 : i64} {
  func.func @_sc_body(%arg0: i32, %arg1: i32, %arg2: memref<8192x64xf32, #tpu.memory_space<hbm>>, %arg3: memref<16384xi32, #tpu.memory_space<hbm>>, %arg4: memref<16384x64xf32, #tpu.memory_space<hbm>>, %arg5: memref<128xi32, #tpu.memory_space<vmem>>, %arg6: memref<128xi32, #tpu.memory_space<vmem>>, %arg7: memref<128xi32, #tpu.memory_space<vmem>>, %arg8: memref<128xi32, #tpu.memory_space<vmem>>, %arg9: memref<128x64xf32, #tpu.memory_space<vmem>>, %arg10: memref<128x64xf32, #tpu.memory_space<vmem>>, %arg11: memref<128x64xf32, #tpu.memory_space<vmem>>, %arg12: memref<128x64xf32, #tpu.memory_space<vmem>>, %arg13: memref<!tpu.dma_semaphore, #tpu.memory_space<semaphore_mem>>) attributes {dimension_semantics = [#tpu.dimension_semantics<core_parallel>, #tpu.dimension_semantics<subcore_parallel>], iteration_bounds = array<i64: 2, 16>, scalar_prefetch = 0 : i64, scratch_operands = 9 : i64, tpu.core_type = #tpu.core_type<sc_vector_subcore>, window_params = [{transform_indices = #map}, {transform_indices = #map1}, {transform_indices = #map}]} {
    %mul3A = arith.constant 2 : i32
    %mul3A_0 = arith.muli %arg1, %mul3A : i32
    %add3A = arith.addi %mul3A_0, %arg0 : i32
    %mul3A_1 = arith.constant 512 : i32
    %mul3A_2 = arith.muli %add3A, %mul3A_1 : i32
    %add3A_3 = arith.constant 0 : i32
    %add3A_4 = arith.addi %mul3A_2, %add3A_3 : i32
    "tpu.region"() ({
      %run_scoped3A = tpu.sem_alloc : memref<!tpu.dma_semaphore, #tpu.memory_space<semaphore_mem>>
      %dma_start3A_41 = tpu.memref_slice %arg3[%add3A_4] : memref<16384xi32, #tpu.memory_space<hbm>> -> memref<128xi32, #tpu.memory_space<hbm>>
      %dma_start3A_42 = tpu.memref_slice %arg3[%add3A_4] : memref<16384xi32, #tpu.memory_space<hbm>> -> memref<128xi32, #tpu.memory_space<hbm>>
      tpu.enqueue_dma source(%dma_start3A_42 : memref<128xi32, #tpu.memory_space<hbm>>) target(%arg5 : memref<128xi32, #tpu.memory_space<vmem>>) target_semaphore(%run_scoped3A : memref<!tpu.dma_semaphore, #tpu.memory_space<semaphore_mem>>)
      %dma_wait3A_43 = tpu.memref_slice %arg3[%add3A_4] : memref<16384xi32, #tpu.memory_space<hbm>> -> memref<128xi32, #tpu.memory_space<hbm>>
      %dma_wait3A_44 = tpu.memref_slice %arg3[%add3A_4] : memref<16384xi32, #tpu.memory_space<hbm>> -> memref<128xi32, #tpu.memory_space<hbm>>
      tpu.wait_dma2 semaphore(%run_scoped3A : memref<!tpu.dma_semaphore, #tpu.memory_space<semaphore_mem>>) src(%dma_wait3A_44 : memref<128xi32, #tpu.memory_space<hbm>>) dst(%arg5 : memref<128xi32, #tpu.memory_space<vmem>>)
      tpu.yield
    }) : () -> ()
    %add3A_5 = arith.constant 128 : i32
    %add3A_6 = arith.addi %mul3A_2, %add3A_5 : i32
    "tpu.region"() ({
      %run_scoped3A = tpu.sem_alloc : memref<!tpu.dma_semaphore, #tpu.memory_space<semaphore_mem>>
      %dma_start3A_41 = tpu.memref_slice %arg3[%add3A_6] : memref<16384xi32, #tpu.memory_space<hbm>> -> memref<128xi32, #tpu.memory_space<hbm>>
      %dma_start3A_42 = tpu.memref_slice %arg3[%add3A_6] : memref<16384xi32, #tpu.memory_space<hbm>> -> memref<128xi32, #tpu.memory_space<hbm>>
      tpu.enqueue_dma source(%dma_start3A_42 : memref<128xi32, #tpu.memory_space<hbm>>) target(%arg6 : memref<128xi32, #tpu.memory_space<vmem>>) target_semaphore(%run_scoped3A : memref<!tpu.dma_semaphore, #tpu.memory_space<semaphore_mem>>)
      %dma_wait3A_43 = tpu.memref_slice %arg3[%add3A_6] : memref<16384xi32, #tpu.memory_space<hbm>> -> memref<128xi32, #tpu.memory_space<hbm>>
      %dma_wait3A_44 = tpu.memref_slice %arg3[%add3A_6] : memref<16384xi32, #tpu.memory_space<hbm>> -> memref<128xi32, #tpu.memory_space<hbm>>
      tpu.wait_dma2 semaphore(%run_scoped3A : memref<!tpu.dma_semaphore, #tpu.memory_space<semaphore_mem>>) src(%dma_wait3A_44 : memref<128xi32, #tpu.memory_space<hbm>>) dst(%arg6 : memref<128xi32, #tpu.memory_space<vmem>>)
      tpu.yield
    }) : () -> ()
    %add3A_7 = arith.constant 256 : i32
    %add3A_8 = arith.addi %mul3A_2, %add3A_7 : i32
    "tpu.region"() ({
      %run_scoped3A = tpu.sem_alloc : memref<!tpu.dma_semaphore, #tpu.memory_space<semaphore_mem>>
      %dma_start3A_41 = tpu.memref_slice %arg3[%add3A_8] : memref<16384xi32, #tpu.memory_space<hbm>> -> memref<128xi32, #tpu.memory_space<hbm>>
      %dma_start3A_42 = tpu.memref_slice %arg3[%add3A_8] : memref<16384xi32, #tpu.memory_space<hbm>> -> memref<128xi32, #tpu.memory_space<hbm>>
      tpu.enqueue_dma source(%dma_start3A_42 : memref<128xi32, #tpu.memory_space<hbm>>) target(%arg7 : memref<128xi32, #tpu.memory_space<vmem>>) target_semaphore(%run_scoped3A : memref<!tpu.dma_semaphore, #tpu.memory_space<semaphore_mem>>)
      %dma_wait3A_43 = tpu.memref_slice %arg3[%add3A_8] : memref<16384xi32, #tpu.memory_space<hbm>> -> memref<128xi32, #tpu.memory_space<hbm>>
      %dma_wait3A_44 = tpu.memref_slice %arg3[%add3A_8] : memref<16384xi32, #tpu.memory_space<hbm>> -> memref<128xi32, #tpu.memory_space<hbm>>
      tpu.wait_dma2 semaphore(%run_scoped3A : memref<!tpu.dma_semaphore, #tpu.memory_space<semaphore_mem>>) src(%dma_wait3A_44 : memref<128xi32, #tpu.memory_space<hbm>>) dst(%arg7 : memref<128xi32, #tpu.memory_space<vmem>>)
      tpu.yield
    }) : () -> ()
    %add3A_9 = arith.constant 384 : i32
    %add3A_10 = arith.addi %mul3A_2, %add3A_9 : i32
    "tpu.region"() ({
      %run_scoped3A = tpu.sem_alloc : memref<!tpu.dma_semaphore, #tpu.memory_space<semaphore_mem>>
      %dma_start3A_41 = tpu.memref_slice %arg3[%add3A_10] : memref<16384xi32, #tpu.memory_space<hbm>> -> memref<128xi32, #tpu.memory_space<hbm>>
      %dma_start3A_42 = tpu.memref_slice %arg3[%add3A_10] : memref<16384xi32, #tpu.memory_space<hbm>> -> memref<128xi32, #tpu.memory_space<hbm>>
      tpu.enqueue_dma source(%dma_start3A_42 : memref<128xi32, #tpu.memory_space<hbm>>) target(%arg8 : memref<128xi32, #tpu.memory_space<vmem>>) target_semaphore(%run_scoped3A : memref<!tpu.dma_semaphore, #tpu.memory_space<semaphore_mem>>)
      %dma_wait3A_43 = tpu.memref_slice %arg3[%add3A_10] : memref<16384xi32, #tpu.memory_space<hbm>> -> memref<128xi32, #tpu.memory_space<hbm>>
      %dma_wait3A_44 = tpu.memref_slice %arg3[%add3A_10] : memref<16384xi32, #tpu.memory_space<hbm>> -> memref<128xi32, #tpu.memory_space<hbm>>
      tpu.wait_dma2 semaphore(%run_scoped3A : memref<!tpu.dma_semaphore, #tpu.memory_space<semaphore_mem>>) src(%dma_wait3A_44 : memref<128xi32, #tpu.memory_space<hbm>>) dst(%arg8 : memref<128xi32, #tpu.memory_space<vmem>>)
      tpu.yield
    }) : () -> ()
    %dma_start3A = arith.constant 0 : i32
    %dma_start3A_11 = arith.constant 0 : i32
    %dma_start3A_12 = tpu.memref_slice %arg2[%dma_start3A, %dma_start3A_11] : memref<8192x64xf32, #tpu.memory_space<hbm>> -> memref<8192x64xf32, #tpu.memory_space<hbm>>
    tpu.enqueue_indirect_dma source(%dma_start3A_12 : memref<8192x64xf32, #tpu.memory_space<hbm>>) target(%arg9 : memref<128x64xf32, #tpu.memory_space<vmem>>) offsets(%arg5 : memref<128xi32, #tpu.memory_space<vmem>>) semaphore(%arg13 : memref<!tpu.dma_semaphore, #tpu.memory_space<semaphore_mem>>)
    %dma_start3A_13 = arith.constant 0 : i32
    %dma_start3A_14 = arith.constant 0 : i32
    %dma_start3A_15 = tpu.memref_slice %arg2[%dma_start3A_13, %dma_start3A_14] : memref<8192x64xf32, #tpu.memory_space<hbm>> -> memref<8192x64xf32, #tpu.memory_space<hbm>>
    tpu.enqueue_indirect_dma source(%dma_start3A_15 : memref<8192x64xf32, #tpu.memory_space<hbm>>) target(%arg10 : memref<128x64xf32, #tpu.memory_space<vmem>>) offsets(%arg6 : memref<128xi32, #tpu.memory_space<vmem>>) semaphore(%arg13 : memref<!tpu.dma_semaphore, #tpu.memory_space<semaphore_mem>>)
    %dma_start3A_16 = arith.constant 0 : i32
    %dma_start3A_17 = arith.constant 0 : i32
    %dma_start3A_18 = tpu.memref_slice %arg2[%dma_start3A_16, %dma_start3A_17] : memref<8192x64xf32, #tpu.memory_space<hbm>> -> memref<8192x64xf32, #tpu.memory_space<hbm>>
    tpu.enqueue_indirect_dma source(%dma_start3A_18 : memref<8192x64xf32, #tpu.memory_space<hbm>>) target(%arg11 : memref<128x64xf32, #tpu.memory_space<vmem>>) offsets(%arg7 : memref<128xi32, #tpu.memory_space<vmem>>) semaphore(%arg13 : memref<!tpu.dma_semaphore, #tpu.memory_space<semaphore_mem>>)
    %dma_start3A_19 = arith.constant 0 : i32
    %dma_start3A_20 = arith.constant 0 : i32
    %dma_start3A_21 = tpu.memref_slice %arg2[%dma_start3A_19, %dma_start3A_20] : memref<8192x64xf32, #tpu.memory_space<hbm>> -> memref<8192x64xf32, #tpu.memory_space<hbm>>
    tpu.enqueue_indirect_dma source(%dma_start3A_21 : memref<8192x64xf32, #tpu.memory_space<hbm>>) target(%arg12 : memref<128x64xf32, #tpu.memory_space<vmem>>) offsets(%arg8 : memref<128xi32, #tpu.memory_space<vmem>>) semaphore(%arg13 : memref<!tpu.dma_semaphore, #tpu.memory_space<semaphore_mem>>)
    %dma_wait3A = arith.constant 0 : i32
    %dma_wait3A_22 = arith.constant 0 : i32
    %dma_wait3A_23 = tpu.memref_slice %arg2[%dma_wait3A, %dma_wait3A_22] : memref<8192x64xf32, #tpu.memory_space<hbm>> -> memref<8192x64xf32, #tpu.memory_space<hbm>>
    tpu.wait_indirect_dma semaphore(%arg13 : memref<!tpu.dma_semaphore, #tpu.memory_space<semaphore_mem>>) src(%dma_wait3A_23 : memref<8192x64xf32, #tpu.memory_space<hbm>>) dst(%arg9 : memref<128x64xf32, #tpu.memory_space<vmem>>)
    %dma_wait3A_24 = arith.constant 0 : i32
    %dma_wait3A_25 = arith.constant 0 : i32
    %dma_wait3A_26 = tpu.memref_slice %arg2[%dma_wait3A_24, %dma_wait3A_25] : memref<8192x64xf32, #tpu.memory_space<hbm>> -> memref<8192x64xf32, #tpu.memory_space<hbm>>
    tpu.wait_indirect_dma semaphore(%arg13 : memref<!tpu.dma_semaphore, #tpu.memory_space<semaphore_mem>>) src(%dma_wait3A_26 : memref<8192x64xf32, #tpu.memory_space<hbm>>) dst(%arg10 : memref<128x64xf32, #tpu.memory_space<vmem>>)
    %dma_wait3A_27 = arith.constant 0 : i32
    %dma_wait3A_28 = arith.constant 0 : i32
    %dma_wait3A_29 = tpu.memref_slice %arg2[%dma_wait3A_27, %dma_wait3A_28] : memref<8192x64xf32, #tpu.memory_space<hbm>> -> memref<8192x64xf32, #tpu.memory_space<hbm>>
    tpu.wait_indirect_dma semaphore(%arg13 : memref<!tpu.dma_semaphore, #tpu.memory_space<semaphore_mem>>) src(%dma_wait3A_29 : memref<8192x64xf32, #tpu.memory_space<hbm>>) dst(%arg11 : memref<128x64xf32, #tpu.memory_space<vmem>>)
    %dma_wait3A_30 = arith.constant 0 : i32
    %dma_wait3A_31 = arith.constant 0 : i32
    %dma_wait3A_32 = tpu.memref_slice %arg2[%dma_wait3A_30, %dma_wait3A_31] : memref<8192x64xf32, #tpu.memory_space<hbm>> -> memref<8192x64xf32, #tpu.memory_space<hbm>>
    tpu.wait_indirect_dma semaphore(%arg13 : memref<!tpu.dma_semaphore, #tpu.memory_space<semaphore_mem>>) src(%dma_wait3A_32 : memref<8192x64xf32, #tpu.memory_space<hbm>>) dst(%arg12 : memref<128x64xf32, #tpu.memory_space<vmem>>)
    %add3A_33 = arith.constant 0 : i32
    %add3A_34 = arith.addi %mul3A_2, %add3A_33 : i32
    "tpu.region"() ({
      %run_scoped3A = tpu.sem_alloc : memref<!tpu.dma_semaphore, #tpu.memory_space<semaphore_mem>>
      %dma_start3A_41 = arith.constant 0 : i32
      %dma_start3A_42 = tpu.memref_slice %arg4[%add3A_34, %dma_start3A_41] : memref<16384x64xf32, #tpu.memory_space<hbm>> -> memref<128x64xf32, #tpu.memory_space<hbm>>
      %dma_start3A_43 = arith.constant 0 : i32
      %dma_start3A_44 = tpu.memref_slice %arg4[%add3A_34, %dma_start3A_43] : memref<16384x64xf32, #tpu.memory_space<hbm>> -> memref<128x64xf32, #tpu.memory_space<hbm>>
      tpu.enqueue_dma source(%arg9 : memref<128x64xf32, #tpu.memory_space<vmem>>) target(%dma_start3A_44 : memref<128x64xf32, #tpu.memory_space<hbm>>) target_semaphore(%run_scoped3A : memref<!tpu.dma_semaphore, #tpu.memory_space<semaphore_mem>>)
      %dma_wait3A_45 = arith.constant 0 : i32
      %dma_wait3A_46 = tpu.memref_slice %arg4[%add3A_34, %dma_wait3A_45] : memref<16384x64xf32, #tpu.memory_space<hbm>> -> memref<128x64xf32, #tpu.memory_space<hbm>>
      %dma_wait3A_47 = arith.constant 0 : i32
      %dma_wait3A_48 = tpu.memref_slice %arg4[%add3A_34, %dma_wait3A_47] : memref<16384x64xf32, #tpu.memory_space<hbm>> -> memref<128x64xf32, #tpu.memory_space<hbm>>
      tpu.wait_dma2 semaphore(%run_scoped3A : memref<!tpu.dma_semaphore, #tpu.memory_space<semaphore_mem>>) src(%arg9 : memref<128x64xf32, #tpu.memory_space<vmem>>) dst(%dma_wait3A_48 : memref<128x64xf32, #tpu.memory_space<hbm>>)
      tpu.yield
    }) : () -> ()
    %add3A_35 = arith.constant 128 : i32
    %add3A_36 = arith.addi %mul3A_2, %add3A_35 : i32
    "tpu.region"() ({
      %run_scoped3A = tpu.sem_alloc : memref<!tpu.dma_semaphore, #tpu.memory_space<semaphore_mem>>
      %dma_start3A_41 = arith.constant 0 : i32
      %dma_start3A_42 = tpu.memref_slice %arg4[%add3A_36, %dma_start3A_41] : memref<16384x64xf32, #tpu.memory_space<hbm>> -> memref<128x64xf32, #tpu.memory_space<hbm>>
      %dma_start3A_43 = arith.constant 0 : i32
      %dma_start3A_44 = tpu.memref_slice %arg4[%add3A_36, %dma_start3A_43] : memref<16384x64xf32, #tpu.memory_space<hbm>> -> memref<128x64xf32, #tpu.memory_space<hbm>>
      tpu.enqueue_dma source(%arg10 : memref<128x64xf32, #tpu.memory_space<vmem>>) target(%dma_start3A_44 : memref<128x64xf32, #tpu.memory_space<hbm>>) target_semaphore(%run_scoped3A : memref<!tpu.dma_semaphore, #tpu.memory_space<semaphore_mem>>)
      %dma_wait3A_45 = arith.constant 0 : i32
      %dma_wait3A_46 = tpu.memref_slice %arg4[%add3A_36, %dma_wait3A_45] : memref<16384x64xf32, #tpu.memory_space<hbm>> -> memref<128x64xf32, #tpu.memory_space<hbm>>
      %dma_wait3A_47 = arith.constant 0 : i32
      %dma_wait3A_48 = tpu.memref_slice %arg4[%add3A_36, %dma_wait3A_47] : memref<16384x64xf32, #tpu.memory_space<hbm>> -> memref<128x64xf32, #tpu.memory_space<hbm>>
      tpu.wait_dma2 semaphore(%run_scoped3A : memref<!tpu.dma_semaphore, #tpu.memory_space<semaphore_mem>>) src(%arg10 : memref<128x64xf32, #tpu.memory_space<vmem>>) dst(%dma_wait3A_48 : memref<128x64xf32, #tpu.memory_space<hbm>>)
      tpu.yield
    }) : () -> ()
    %add3A_37 = arith.constant 256 : i32
    %add3A_38 = arith.addi %mul3A_2, %add3A_37 : i32
    "tpu.region"() ({
      %run_scoped3A = tpu.sem_alloc : memref<!tpu.dma_semaphore, #tpu.memory_space<semaphore_mem>>
      %dma_start3A_41 = arith.constant 0 : i32
      %dma_start3A_42 = tpu.memref_slice %arg4[%add3A_38, %dma_start3A_41] : memref<16384x64xf32, #tpu.memory_space<hbm>> -> memref<128x64xf32, #tpu.memory_space<hbm>>
      %dma_start3A_43 = arith.constant 0 : i32
      %dma_start3A_44 = tpu.memref_slice %arg4[%add3A_38, %dma_start3A_43] : memref<16384x64xf32, #tpu.memory_space<hbm>> -> memref<128x64xf32, #tpu.memory_space<hbm>>
      tpu.enqueue_dma source(%arg11 : memref<128x64xf32, #tpu.memory_space<vmem>>) target(%dma_start3A_44 : memref<128x64xf32, #tpu.memory_space<hbm>>) target_semaphore(%run_scoped3A : memref<!tpu.dma_semaphore, #tpu.memory_space<semaphore_mem>>)
      %dma_wait3A_45 = arith.constant 0 : i32
      %dma_wait3A_46 = tpu.memref_slice %arg4[%add3A_38, %dma_wait3A_45] : memref<16384x64xf32, #tpu.memory_space<hbm>> -> memref<128x64xf32, #tpu.memory_space<hbm>>
      %dma_wait3A_47 = arith.constant 0 : i32
      %dma_wait3A_48 = tpu.memref_slice %arg4[%add3A_38, %dma_wait3A_47] : memref<16384x64xf32, #tpu.memory_space<hbm>> -> memref<128x64xf32, #tpu.memory_space<hbm>>
      tpu.wait_dma2 semaphore(%run_scoped3A : memref<!tpu.dma_semaphore, #tpu.memory_space<semaphore_mem>>) src(%arg11 : memref<128x64xf32, #tpu.memory_space<vmem>>) dst(%dma_wait3A_48 : memref<128x64xf32, #tpu.memory_space<hbm>>)
      tpu.yield
    }) : () -> ()
    %add3A_39 = arith.constant 384 : i32
    %add3A_40 = arith.addi %mul3A_2, %add3A_39 : i32
    "tpu.region"() ({
      %run_scoped3A = tpu.sem_alloc : memref<!tpu.dma_semaphore, #tpu.memory_space<semaphore_mem>>
      %dma_start3A_41 = arith.constant 0 : i32
      %dma_start3A_42 = tpu.memref_slice %arg4[%add3A_40, %dma_start3A_41] : memref<16384x64xf32, #tpu.memory_space<hbm>> -> memref<128x64xf32, #tpu.memory_space<hbm>>
      %dma_start3A_43 = arith.constant 0 : i32
      %dma_start3A_44 = tpu.memref_slice %arg4[%add3A_40, %dma_start3A_43] : memref<16384x64xf32, #tpu.memory_space<hbm>> -> memref<128x64xf32, #tpu.memory_space<hbm>>
      tpu.enqueue_dma source(%arg12 : memref<128x64xf32, #tpu.memory_space<vmem>>) target(%dma_start3A_44 : memref<128x64xf32, #tpu.memory_space<hbm>>) target_semaphore(%run_scoped3A : memref<!tpu.dma_semaphore, #tpu.memory_space<semaphore_mem>>)
      %dma_wait3A_45 = arith.constant 0 : i32
      %dma_wait3A_46 = tpu.memref_slice %arg4[%add3A_40, %dma_wait3A_45] : memref<16384x64xf32, #tpu.memory_space<hbm>> -> memref<128x64xf32, #tpu.memory_space<hbm>>
      %dma_wait3A_47 = arith.constant 0 : i32
      %dma_wait3A_48 = tpu.memref_slice %arg4[%add3A_40, %dma_wait3A_47] : memref<16384x64xf32, #tpu.memory_space<hbm>> -> memref<128x64xf32, #tpu.memory_space<hbm>>
      tpu.wait_dma2 semaphore(%run_scoped3A : memref<!tpu.dma_semaphore, #tpu.memory_space<semaphore_mem>>) src(%arg12 : memref<128x64xf32, #tpu.memory_space<vmem>>) dst(%dma_wait3A_48 : memref<128x64xf32, #tpu.memory_space<hbm>>)
      tpu.yield
    }) : () -> ()
    return
  }
}

module attributes {stable_mosaic.version = 14 : i64} {
  func.func @_tc_body(%arg0: i32, %arg1: memref<256x64xf32, #tpu.memory_space<vmem>>, %arg2: memref<256x1xf32, #tpu.memory_space<vmem>>, %arg3: memref<8192x64xf32, #tpu.memory_space<vmem>>, %arg4: memref<1x8192xf32, #tpu.memory_space<vmem>>, %arg5: memref<256x1xi32, #tpu.memory_space<vmem>>, %arg6: memref<1x1xf32, #tpu.memory_space<smem>>) attributes {dimension_semantics = [#tpu.dimension_semantics<arbitrary>], iteration_bounds = array<i64: 64>, scalar_prefetch = 0 : i64, scratch_operands = 0 : i64, tpu.core_type = #tpu.core_type<tc>, window_params = [{transform_indices = @transform_0, window_bounds = array<i64: 256, 64>}, {transform_indices = @transform_1, window_bounds = array<i64: 256, 1>}, {pipeline_mode = #tpu.pipeline_mode<synchronous>, transform_indices = @transform_2, window_bounds = array<i64: 8192, 64>}, {pipeline_mode = #tpu.pipeline_mode<synchronous>, transform_indices = @transform_3, window_bounds = array<i64: 1, 8192>}, {transform_indices = @transform_4, window_bounds = array<i64: 256, 1>}, {transform_indices = @transform_5, window_bounds = array<i64: 1, 1>}]} {
    %get3A = arith.constant 0 : index
    %get3A_0 = arith.constant 0 : index
    %get3A_1 = vector.load %arg1[%get3A, %get3A_0] : memref<256x64xf32, #tpu.memory_space<vmem>>, vector<256x64xf32>
    %get3A_2 = arith.constant 0 : index
    %get3A_3 = arith.constant 0 : index
    %get3A_4 = vector.load %arg2[%get3A_2, %get3A_3] : memref<256x1xf32, #tpu.memory_space<vmem>>, vector<256x1xf32>
    %broadcast_in_dim3A = arith.constant 0x7F800000 : f32
    %broadcast_in_dim3A_5 = vector.broadcast %broadcast_in_dim3A : f32 to vector<256x1xf32>
    %broadcast_in_dim3A_6 = arith.constant 0 : i32
    %broadcast_in_dim3A_7 = vector.broadcast %broadcast_in_dim3A_6 : i32 to vector<256x1xi32>
    %broadcast_in_dim3A_8 = arith.constant 0x7F800000 : f32
    %broadcast_in_dim3A_9 = vector.broadcast %broadcast_in_dim3A_8 : f32 to vector<256x512xf32>
    %get3A_10 = arith.constant 0 : index
    %get3A_11 = arith.constant 0 : index
    %get3A_12 = vector.load %arg3[%get3A_10, %get3A_11] : memref<8192x64xf32, #tpu.memory_space<vmem>>, vector<512x64xf32>
    %dot_general3A = arith.constant dense<0.000000e+00> : vector<256x512xf32>
    %dot_general3A_13 = tpu.matmul %get3A_1, %get3A_12, %dot_general3A {dimension_numbers = #tpu.dot_dimension_numbers<[1], [1], [0], [0], [0, 0, 1, 0], [], []>, transpose_lhs_hint = false} : vector<256x64xf32>, vector<512x64xf32>, vector<256x512xf32> -> vector<256x512xf32>
    %mul3A = arith.constant 2.000000e+00 : f32
    %mul3A_14 = vector.broadcast %mul3A : f32 to vector<256x512xf32>
    %mul3A_15 = arith.mulf %mul3A_14, %dot_general3A_13 : vector<256x512xf32>
    %sub3A = vector.broadcast %get3A_4 : vector<256x1xf32> to vector<256x512xf32>
    %sub3A_16 = arith.subf %sub3A, %mul3A_15 : vector<256x512xf32>
    %get3A_17 = arith.constant 0 : index
    %get3A_18 = arith.constant 0 : index
    %get3A_19 = vector.load %arg4[%get3A_17, %get3A_18] : memref<1x8192xf32, #tpu.memory_space<vmem>>, vector<1x512xf32>
    %add3A = vector.broadcast %get3A_19 : vector<1x512xf32> to vector<256x512xf32>
    %add3A_20 = arith.addf %sub3A_16, %add3A : vector<256x512xf32>
    %reduce_min3A = arith.constant dense<0x7F800000> : vector<256xf32>
    %reduce_min3A_21 = vector.multi_reduction <minimumf>, %add3A_20, %reduce_min3A [1] : vector<256x512xf32> to vector<256xf32>
    %broadcast_in_dim3A_22 = vector.shape_cast %reduce_min3A_21 : vector<256xf32> to vector<256x1xf32>
    %lt3A = arith.cmpf olt, %broadcast_in_dim3A_22, %broadcast_in_dim3A_5 : vector<256x1xf32>
    %select_n3A = arith.select %lt3A, %broadcast_in_dim3A_22, %broadcast_in_dim3A_5 : vector<256x1xi1>, vector<256x1xf32>
    %jit3A = arith.constant 0 : i32
    %broadcast_in_dim3A_23 = vector.broadcast %jit3A : i32 to vector<256x1xi32>
    %select_n3A_24 = arith.select %lt3A, %broadcast_in_dim3A_23, %broadcast_in_dim3A_7 : vector<256x1xi1>, vector<256x1xi32>
    %broadcast_in_dim3A_25 = vector.shape_cast %lt3A : vector<256x1xi1> to vector<256x1xi1>
    %broadcast_in_dim3A_26 = vector.broadcast %broadcast_in_dim3A_25 : vector<256x1xi1> to vector<256x512xi1>
    %select_n3A_27 = arith.select %broadcast_in_dim3A_26, %add3A_20, %broadcast_in_dim3A_9 : vector<256x512xi1>, vector<256x512xf32>
    %get3A_28 = arith.constant 512 : index
    %get3A_29 = arith.constant 0 : index
    %get3A_30 = vector.load %arg3[%get3A_28, %get3A_29] : memref<8192x64xf32, #tpu.memory_space<vmem>>, vector<512x64xf32>
    %dot_general3A_31 = arith.constant dense<0.000000e+00> : vector<256x512xf32>
    %dot_general3A_32 = tpu.matmul %get3A_1, %get3A_30, %dot_general3A_31 {dimension_numbers = #tpu.dot_dimension_numbers<[1], [1], [0], [0], [0, 0, 1, 0], [], []>, transpose_lhs_hint = false} : vector<256x64xf32>, vector<512x64xf32>, vector<256x512xf32> -> vector<256x512xf32>
    %mul3A_33 = arith.constant 2.000000e+00 : f32
    %mul3A_34 = vector.broadcast %mul3A_33 : f32 to vector<256x512xf32>
    %mul3A_35 = arith.mulf %mul3A_34, %dot_general3A_32 : vector<256x512xf32>
    %sub3A_36 = vector.broadcast %get3A_4 : vector<256x1xf32> to vector<256x512xf32>
    %sub3A_37 = arith.subf %sub3A_36, %mul3A_35 : vector<256x512xf32>
    %get3A_38 = arith.constant 0 : index
    %get3A_39 = arith.constant 512 : index
    %get3A_40 = vector.load %arg4[%get3A_38, %get3A_39] : memref<1x8192xf32, #tpu.memory_space<vmem>>, vector<1x512xf32>
    %add3A_41 = vector.broadcast %get3A_40 : vector<1x512xf32> to vector<256x512xf32>
    %add3A_42 = arith.addf %sub3A_37, %add3A_41 : vector<256x512xf32>
    %reduce_min3A_43 = arith.constant dense<0x7F800000> : vector<256xf32>
    %reduce_min3A_44 = vector.multi_reduction <minimumf>, %add3A_42, %reduce_min3A_43 [1] : vector<256x512xf32> to vector<256xf32>
    %broadcast_in_dim3A_45 = vector.shape_cast %reduce_min3A_44 : vector<256xf32> to vector<256x1xf32>
    %lt3A_46 = arith.cmpf olt, %broadcast_in_dim3A_45, %select_n3A : vector<256x1xf32>
    %select_n3A_47 = arith.select %lt3A_46, %broadcast_in_dim3A_45, %select_n3A : vector<256x1xi1>, vector<256x1xf32>
    %jit3A_48 = arith.constant 1 : i32
    %broadcast_in_dim3A_49 = vector.broadcast %jit3A_48 : i32 to vector<256x1xi32>
    %select_n3A_50 = arith.select %lt3A_46, %broadcast_in_dim3A_49, %select_n3A_24 : vector<256x1xi1>, vector<256x1xi32>
    %broadcast_in_dim3A_51 = vector.shape_cast %lt3A_46 : vector<256x1xi1> to vector<256x1xi1>
    %broadcast_in_dim3A_52 = vector.broadcast %broadcast_in_dim3A_51 : vector<256x1xi1> to vector<256x512xi1>
    %select_n3A_53 = arith.select %broadcast_in_dim3A_52, %add3A_42, %select_n3A_27 : vector<256x512xi1>, vector<256x512xf32>
    %get3A_54 = arith.constant 1024 : index
    %get3A_55 = arith.constant 0 : index
    %get3A_56 = vector.load %arg3[%get3A_54, %get3A_55] : memref<8192x64xf32, #tpu.memory_space<vmem>>, vector<512x64xf32>
    %dot_general3A_57 = arith.constant dense<0.000000e+00> : vector<256x512xf32>
    %dot_general3A_58 = tpu.matmul %get3A_1, %get3A_56, %dot_general3A_57 {dimension_numbers = #tpu.dot_dimension_numbers<[1], [1], [0], [0], [0, 0, 1, 0], [], []>, transpose_lhs_hint = false} : vector<256x64xf32>, vector<512x64xf32>, vector<256x512xf32> -> vector<256x512xf32>
    %mul3A_59 = arith.constant 2.000000e+00 : f32
    %mul3A_60 = vector.broadcast %mul3A_59 : f32 to vector<256x512xf32>
    %mul3A_61 = arith.mulf %mul3A_60, %dot_general3A_58 : vector<256x512xf32>
    %sub3A_62 = vector.broadcast %get3A_4 : vector<256x1xf32> to vector<256x512xf32>
    %sub3A_63 = arith.subf %sub3A_62, %mul3A_61 : vector<256x512xf32>
    %get3A_64 = arith.constant 0 : index
    %get3A_65 = arith.constant 1024 : index
    %get3A_66 = vector.load %arg4[%get3A_64, %get3A_65] : memref<1x8192xf32, #tpu.memory_space<vmem>>, vector<1x512xf32>
    %add3A_67 = vector.broadcast %get3A_66 : vector<1x512xf32> to vector<256x512xf32>
    %add3A_68 = arith.addf %sub3A_63, %add3A_67 : vector<256x512xf32>
    %reduce_min3A_69 = arith.constant dense<0x7F800000> : vector<256xf32>
    %reduce_min3A_70 = vector.multi_reduction <minimumf>, %add3A_68, %reduce_min3A_69 [1] : vector<256x512xf32> to vector<256xf32>
    %broadcast_in_dim3A_71 = vector.shape_cast %reduce_min3A_70 : vector<256xf32> to vector<256x1xf32>
    %lt3A_72 = arith.cmpf olt, %broadcast_in_dim3A_71, %select_n3A_47 : vector<256x1xf32>
    %select_n3A_73 = arith.select %lt3A_72, %broadcast_in_dim3A_71, %select_n3A_47 : vector<256x1xi1>, vector<256x1xf32>
    %jit3A_74 = arith.constant 2 : i32
    %broadcast_in_dim3A_75 = vector.broadcast %jit3A_74 : i32 to vector<256x1xi32>
    %select_n3A_76 = arith.select %lt3A_72, %broadcast_in_dim3A_75, %select_n3A_50 : vector<256x1xi1>, vector<256x1xi32>
    %broadcast_in_dim3A_77 = vector.shape_cast %lt3A_72 : vector<256x1xi1> to vector<256x1xi1>
    %broadcast_in_dim3A_78 = vector.broadcast %broadcast_in_dim3A_77 : vector<256x1xi1> to vector<256x512xi1>
    %select_n3A_79 = arith.select %broadcast_in_dim3A_78, %add3A_68, %select_n3A_53 : vector<256x512xi1>, vector<256x512xf32>
    %get3A_80 = arith.constant 1536 : index
    %get3A_81 = arith.constant 0 : index
    %get3A_82 = vector.load %arg3[%get3A_80, %get3A_81] : memref<8192x64xf32, #tpu.memory_space<vmem>>, vector<512x64xf32>
    %dot_general3A_83 = arith.constant dense<0.000000e+00> : vector<256x512xf32>
    %dot_general3A_84 = tpu.matmul %get3A_1, %get3A_82, %dot_general3A_83 {dimension_numbers = #tpu.dot_dimension_numbers<[1], [1], [0], [0], [0, 0, 1, 0], [], []>, transpose_lhs_hint = false} : vector<256x64xf32>, vector<512x64xf32>, vector<256x512xf32> -> vector<256x512xf32>
    %mul3A_85 = arith.constant 2.000000e+00 : f32
    %mul3A_86 = vector.broadcast %mul3A_85 : f32 to vector<256x512xf32>
    %mul3A_87 = arith.mulf %mul3A_86, %dot_general3A_84 : vector<256x512xf32>
    %sub3A_88 = vector.broadcast %get3A_4 : vector<256x1xf32> to vector<256x512xf32>
    %sub3A_89 = arith.subf %sub3A_88, %mul3A_87 : vector<256x512xf32>
    %get3A_90 = arith.constant 0 : index
    %get3A_91 = arith.constant 1536 : index
    %get3A_92 = vector.load %arg4[%get3A_90, %get3A_91] : memref<1x8192xf32, #tpu.memory_space<vmem>>, vector<1x512xf32>
    %add3A_93 = vector.broadcast %get3A_92 : vector<1x512xf32> to vector<256x512xf32>
    %add3A_94 = arith.addf %sub3A_89, %add3A_93 : vector<256x512xf32>
    %reduce_min3A_95 = arith.constant dense<0x7F800000> : vector<256xf32>
    %reduce_min3A_96 = vector.multi_reduction <minimumf>, %add3A_94, %reduce_min3A_95 [1] : vector<256x512xf32> to vector<256xf32>
    %broadcast_in_dim3A_97 = vector.shape_cast %reduce_min3A_96 : vector<256xf32> to vector<256x1xf32>
    %lt3A_98 = arith.cmpf olt, %broadcast_in_dim3A_97, %select_n3A_73 : vector<256x1xf32>
    %select_n3A_99 = arith.select %lt3A_98, %broadcast_in_dim3A_97, %select_n3A_73 : vector<256x1xi1>, vector<256x1xf32>
    %jit3A_100 = arith.constant 3 : i32
    %broadcast_in_dim3A_101 = vector.broadcast %jit3A_100 : i32 to vector<256x1xi32>
    %select_n3A_102 = arith.select %lt3A_98, %broadcast_in_dim3A_101, %select_n3A_76 : vector<256x1xi1>, vector<256x1xi32>
    %broadcast_in_dim3A_103 = vector.shape_cast %lt3A_98 : vector<256x1xi1> to vector<256x1xi1>
    %broadcast_in_dim3A_104 = vector.broadcast %broadcast_in_dim3A_103 : vector<256x1xi1> to vector<256x512xi1>
    %select_n3A_105 = arith.select %broadcast_in_dim3A_104, %add3A_94, %select_n3A_79 : vector<256x512xi1>, vector<256x512xf32>
    %get3A_106 = arith.constant 2048 : index
    %get3A_107 = arith.constant 0 : index
    %get3A_108 = vector.load %arg3[%get3A_106, %get3A_107] : memref<8192x64xf32, #tpu.memory_space<vmem>>, vector<512x64xf32>
    %dot_general3A_109 = arith.constant dense<0.000000e+00> : vector<256x512xf32>
    %dot_general3A_110 = tpu.matmul %get3A_1, %get3A_108, %dot_general3A_109 {dimension_numbers = #tpu.dot_dimension_numbers<[1], [1], [0], [0], [0, 0, 1, 0], [], []>, transpose_lhs_hint = false} : vector<256x64xf32>, vector<512x64xf32>, vector<256x512xf32> -> vector<256x512xf32>
    %mul3A_111 = arith.constant 2.000000e+00 : f32
    %mul3A_112 = vector.broadcast %mul3A_111 : f32 to vector<256x512xf32>
    %mul3A_113 = arith.mulf %mul3A_112, %dot_general3A_110 : vector<256x512xf32>
    %sub3A_114 = vector.broadcast %get3A_4 : vector<256x1xf32> to vector<256x512xf32>
    %sub3A_115 = arith.subf %sub3A_114, %mul3A_113 : vector<256x512xf32>
    %get3A_116 = arith.constant 0 : index
    %get3A_117 = arith.constant 2048 : index
    %get3A_118 = vector.load %arg4[%get3A_116, %get3A_117] : memref<1x8192xf32, #tpu.memory_space<vmem>>, vector<1x512xf32>
    %add3A_119 = vector.broadcast %get3A_118 : vector<1x512xf32> to vector<256x512xf32>
    %add3A_120 = arith.addf %sub3A_115, %add3A_119 : vector<256x512xf32>
    %reduce_min3A_121 = arith.constant dense<0x7F800000> : vector<256xf32>
    %reduce_min3A_122 = vector.multi_reduction <minimumf>, %add3A_120, %reduce_min3A_121 [1] : vector<256x512xf32> to vector<256xf32>
    %broadcast_in_dim3A_123 = vector.shape_cast %reduce_min3A_122 : vector<256xf32> to vector<256x1xf32>
    %lt3A_124 = arith.cmpf olt, %broadcast_in_dim3A_123, %select_n3A_99 : vector<256x1xf32>
    %select_n3A_125 = arith.select %lt3A_124, %broadcast_in_dim3A_123, %select_n3A_99 : vector<256x1xi1>, vector<256x1xf32>
    %jit3A_126 = arith.constant 4 : i32
    %broadcast_in_dim3A_127 = vector.broadcast %jit3A_126 : i32 to vector<256x1xi32>
    %select_n3A_128 = arith.select %lt3A_124, %broadcast_in_dim3A_127, %select_n3A_102 : vector<256x1xi1>, vector<256x1xi32>
    %broadcast_in_dim3A_129 = vector.shape_cast %lt3A_124 : vector<256x1xi1> to vector<256x1xi1>
    %broadcast_in_dim3A_130 = vector.broadcast %broadcast_in_dim3A_129 : vector<256x1xi1> to vector<256x512xi1>
    %select_n3A_131 = arith.select %broadcast_in_dim3A_130, %add3A_120, %select_n3A_105 : vector<256x512xi1>, vector<256x512xf32>
    %get3A_132 = arith.constant 2560 : index
    %get3A_133 = arith.constant 0 : index
    %get3A_134 = vector.load %arg3[%get3A_132, %get3A_133] : memref<8192x64xf32, #tpu.memory_space<vmem>>, vector<512x64xf32>
    %dot_general3A_135 = arith.constant dense<0.000000e+00> : vector<256x512xf32>
    %dot_general3A_136 = tpu.matmul %get3A_1, %get3A_134, %dot_general3A_135 {dimension_numbers = #tpu.dot_dimension_numbers<[1], [1], [0], [0], [0, 0, 1, 0], [], []>, transpose_lhs_hint = false} : vector<256x64xf32>, vector<512x64xf32>, vector<256x512xf32> -> vector<256x512xf32>
    %mul3A_137 = arith.constant 2.000000e+00 : f32
    %mul3A_138 = vector.broadcast %mul3A_137 : f32 to vector<256x512xf32>
    %mul3A_139 = arith.mulf %mul3A_138, %dot_general3A_136 : vector<256x512xf32>
    %sub3A_140 = vector.broadcast %get3A_4 : vector<256x1xf32> to vector<256x512xf32>
    %sub3A_141 = arith.subf %sub3A_140, %mul3A_139 : vector<256x512xf32>
    %get3A_142 = arith.constant 0 : index
    %get3A_143 = arith.constant 2560 : index
    %get3A_144 = vector.load %arg4[%get3A_142, %get3A_143] : memref<1x8192xf32, #tpu.memory_space<vmem>>, vector<1x512xf32>
    %add3A_145 = vector.broadcast %get3A_144 : vector<1x512xf32> to vector<256x512xf32>
    %add3A_146 = arith.addf %sub3A_141, %add3A_145 : vector<256x512xf32>
    %reduce_min3A_147 = arith.constant dense<0x7F800000> : vector<256xf32>
    %reduce_min3A_148 = vector.multi_reduction <minimumf>, %add3A_146, %reduce_min3A_147 [1] : vector<256x512xf32> to vector<256xf32>
    %broadcast_in_dim3A_149 = vector.shape_cast %reduce_min3A_148 : vector<256xf32> to vector<256x1xf32>
    %lt3A_150 = arith.cmpf olt, %broadcast_in_dim3A_149, %select_n3A_125 : vector<256x1xf32>
    %select_n3A_151 = arith.select %lt3A_150, %broadcast_in_dim3A_149, %select_n3A_125 : vector<256x1xi1>, vector<256x1xf32>
    %jit3A_152 = arith.constant 5 : i32
    %broadcast_in_dim3A_153 = vector.broadcast %jit3A_152 : i32 to vector<256x1xi32>
    %select_n3A_154 = arith.select %lt3A_150, %broadcast_in_dim3A_153, %select_n3A_128 : vector<256x1xi1>, vector<256x1xi32>
    %broadcast_in_dim3A_155 = vector.shape_cast %lt3A_150 : vector<256x1xi1> to vector<256x1xi1>
    %broadcast_in_dim3A_156 = vector.broadcast %broadcast_in_dim3A_155 : vector<256x1xi1> to vector<256x512xi1>
    %select_n3A_157 = arith.select %broadcast_in_dim3A_156, %add3A_146, %select_n3A_131 : vector<256x512xi1>, vector<256x512xf32>
    %get3A_158 = arith.constant 3072 : index
    %get3A_159 = arith.constant 0 : index
    %get3A_160 = vector.load %arg3[%get3A_158, %get3A_159] : memref<8192x64xf32, #tpu.memory_space<vmem>>, vector<512x64xf32>
    %dot_general3A_161 = arith.constant dense<0.000000e+00> : vector<256x512xf32>
    %dot_general3A_162 = tpu.matmul %get3A_1, %get3A_160, %dot_general3A_161 {dimension_numbers = #tpu.dot_dimension_numbers<[1], [1], [0], [0], [0, 0, 1, 0], [], []>, transpose_lhs_hint = false} : vector<256x64xf32>, vector<512x64xf32>, vector<256x512xf32> -> vector<256x512xf32>
    %mul3A_163 = arith.constant 2.000000e+00 : f32
    %mul3A_164 = vector.broadcast %mul3A_163 : f32 to vector<256x512xf32>
    %mul3A_165 = arith.mulf %mul3A_164, %dot_general3A_162 : vector<256x512xf32>
    %sub3A_166 = vector.broadcast %get3A_4 : vector<256x1xf32> to vector<256x512xf32>
    %sub3A_167 = arith.subf %sub3A_166, %mul3A_165 : vector<256x512xf32>
    %get3A_168 = arith.constant 0 : index
    %get3A_169 = arith.constant 3072 : index
    %get3A_170 = vector.load %arg4[%get3A_168, %get3A_169] : memref<1x8192xf32, #tpu.memory_space<vmem>>, vector<1x512xf32>
    %add3A_171 = vector.broadcast %get3A_170 : vector<1x512xf32> to vector<256x512xf32>
    %add3A_172 = arith.addf %sub3A_167, %add3A_171 : vector<256x512xf32>
    %reduce_min3A_173 = arith.constant dense<0x7F800000> : vector<256xf32>
    %reduce_min3A_174 = vector.multi_reduction <minimumf>, %add3A_172, %reduce_min3A_173 [1] : vector<256x512xf32> to vector<256xf32>
    %broadcast_in_dim3A_175 = vector.shape_cast %reduce_min3A_174 : vector<256xf32> to vector<256x1xf32>
    %lt3A_176 = arith.cmpf olt, %broadcast_in_dim3A_175, %select_n3A_151 : vector<256x1xf32>
    %select_n3A_177 = arith.select %lt3A_176, %broadcast_in_dim3A_175, %select_n3A_151 : vector<256x1xi1>, vector<256x1xf32>
    %jit3A_178 = arith.constant 6 : i32
    %broadcast_in_dim3A_179 = vector.broadcast %jit3A_178 : i32 to vector<256x1xi32>
    %select_n3A_180 = arith.select %lt3A_176, %broadcast_in_dim3A_179, %select_n3A_154 : vector<256x1xi1>, vector<256x1xi32>
    %broadcast_in_dim3A_181 = vector.shape_cast %lt3A_176 : vector<256x1xi1> to vector<256x1xi1>
    %broadcast_in_dim3A_182 = vector.broadcast %broadcast_in_dim3A_181 : vector<256x1xi1> to vector<256x512xi1>
    %select_n3A_183 = arith.select %broadcast_in_dim3A_182, %add3A_172, %select_n3A_157 : vector<256x512xi1>, vector<256x512xf32>
    %get3A_184 = arith.constant 3584 : index
    %get3A_185 = arith.constant 0 : index
    %get3A_186 = vector.load %arg3[%get3A_184, %get3A_185] : memref<8192x64xf32, #tpu.memory_space<vmem>>, vector<512x64xf32>
    %dot_general3A_187 = arith.constant dense<0.000000e+00> : vector<256x512xf32>
    %dot_general3A_188 = tpu.matmul %get3A_1, %get3A_186, %dot_general3A_187 {dimension_numbers = #tpu.dot_dimension_numbers<[1], [1], [0], [0], [0, 0, 1, 0], [], []>, transpose_lhs_hint = false} : vector<256x64xf32>, vector<512x64xf32>, vector<256x512xf32> -> vector<256x512xf32>
    %mul3A_189 = arith.constant 2.000000e+00 : f32
    %mul3A_190 = vector.broadcast %mul3A_189 : f32 to vector<256x512xf32>
    %mul3A_191 = arith.mulf %mul3A_190, %dot_general3A_188 : vector<256x512xf32>
    %sub3A_192 = vector.broadcast %get3A_4 : vector<256x1xf32> to vector<256x512xf32>
    %sub3A_193 = arith.subf %sub3A_192, %mul3A_191 : vector<256x512xf32>
    %get3A_194 = arith.constant 0 : index
    %get3A_195 = arith.constant 3584 : index
    %get3A_196 = vector.load %arg4[%get3A_194, %get3A_195] : memref<1x8192xf32, #tpu.memory_space<vmem>>, vector<1x512xf32>
    %add3A_197 = vector.broadcast %get3A_196 : vector<1x512xf32> to vector<256x512xf32>
    %add3A_198 = arith.addf %sub3A_193, %add3A_197 : vector<256x512xf32>
    %reduce_min3A_199 = arith.constant dense<0x7F800000> : vector<256xf32>
    %reduce_min3A_200 = vector.multi_reduction <minimumf>, %add3A_198, %reduce_min3A_199 [1] : vector<256x512xf32> to vector<256xf32>
    %broadcast_in_dim3A_201 = vector.shape_cast %reduce_min3A_200 : vector<256xf32> to vector<256x1xf32>
    %lt3A_202 = arith.cmpf olt, %broadcast_in_dim3A_201, %select_n3A_177 : vector<256x1xf32>
    %select_n3A_203 = arith.select %lt3A_202, %broadcast_in_dim3A_201, %select_n3A_177 : vector<256x1xi1>, vector<256x1xf32>
    %jit3A_204 = arith.constant 7 : i32
    %broadcast_in_dim3A_205 = vector.broadcast %jit3A_204 : i32 to vector<256x1xi32>
    %select_n3A_206 = arith.select %lt3A_202, %broadcast_in_dim3A_205, %select_n3A_180 : vector<256x1xi1>, vector<256x1xi32>
    %broadcast_in_dim3A_207 = vector.shape_cast %lt3A_202 : vector<256x1xi1> to vector<256x1xi1>
    %broadcast_in_dim3A_208 = vector.broadcast %broadcast_in_dim3A_207 : vector<256x1xi1> to vector<256x512xi1>
    %select_n3A_209 = arith.select %broadcast_in_dim3A_208, %add3A_198, %select_n3A_183 : vector<256x512xi1>, vector<256x512xf32>
    %iota3A = tpu.iota {dimensions = array<i32: 1>} : vector<256x512xi32>
    %eq3A = vector.broadcast %select_n3A_203 : vector<256x1xf32> to vector<256x512xf32>
    %eq3A_210 = arith.cmpf oeq, %select_n3A_209, %eq3A : vector<256x512xf32>
    %jit3A_211 = arith.constant 8192 : i32
    %broadcast_in_dim3A_212 = vector.broadcast %jit3A_211 : i32 to vector<256x512xi32>
    %select_n3A_213 = arith.select %eq3A_210, %iota3A, %broadcast_in_dim3A_212 : vector<256x512xi1>, vector<256x512xi32>
    %reduce_min3A_214 = arith.constant dense<2147483647> : vector<256xi32>
    %reduce_min3A_215 = vector.multi_reduction <minsi>, %select_n3A_213, %reduce_min3A_214 [1] : vector<256x512xi32> to vector<256xi32>
    %broadcast_in_dim3A_216 = vector.shape_cast %reduce_min3A_215 : vector<256xi32> to vector<256x1xi32>
    %mul3A_217 = arith.constant 512 : i32
    %mul3A_218 = vector.broadcast %mul3A_217 : i32 to vector<256x1xi32>
    %mul3A_219 = arith.muli %select_n3A_206, %mul3A_218 : vector<256x1xi32>
    %add3A_220 = arith.addi %mul3A_219, %broadcast_in_dim3A_216 : vector<256x1xi32>
    %broadcast_in_dim3A_221 = arith.constant 0x7F800000 : f32
    %broadcast_in_dim3A_222 = vector.broadcast %broadcast_in_dim3A_221 : f32 to vector<256x1xf32>
    %broadcast_in_dim3A_223 = arith.constant 0 : i32
    %broadcast_in_dim3A_224 = vector.broadcast %broadcast_in_dim3A_223 : i32 to vector<256x1xi32>
    %broadcast_in_dim3A_225 = arith.constant 0x7F800000 : f32
    %broadcast_in_dim3A_226 = vector.broadcast %broadcast_in_dim3A_225 : f32 to vector<256x512xf32>
    %get3A_227 = arith.constant 4096 : index
    %get3A_228 = arith.constant 0 : index
    %get3A_229 = vector.load %arg3[%get3A_227, %get3A_228] : memref<8192x64xf32, #tpu.memory_space<vmem>>, vector<512x64xf32>
    %dot_general3A_230 = arith.constant dense<0.000000e+00> : vector<256x512xf32>
    %dot_general3A_231 = tpu.matmul %get3A_1, %get3A_229, %dot_general3A_230 {dimension_numbers = #tpu.dot_dimension_numbers<[1], [1], [0], [0], [0, 0, 1, 0], [], []>, transpose_lhs_hint = false} : vector<256x64xf32>, vector<512x64xf32>, vector<256x512xf32> -> vector<256x512xf32>
    %mul3A_232 = arith.constant 2.000000e+00 : f32
    %mul3A_233 = vector.broadcast %mul3A_232 : f32 to vector<256x512xf32>
    %mul3A_234 = arith.mulf %mul3A_233, %dot_general3A_231 : vector<256x512xf32>
    %sub3A_235 = vector.broadcast %get3A_4 : vector<256x1xf32> to vector<256x512xf32>
    %sub3A_236 = arith.subf %sub3A_235, %mul3A_234 : vector<256x512xf32>
    %get3A_237 = arith.constant 0 : index
    %get3A_238 = arith.constant 4096 : index
    %get3A_239 = vector.load %arg4[%get3A_237, %get3A_238] : memref<1x8192xf32, #tpu.memory_space<vmem>>, vector<1x512xf32>
    %add3A_240 = vector.broadcast %get3A_239 : vector<1x512xf32> to vector<256x512xf32>
    %add3A_241 = arith.addf %sub3A_236, %add3A_240 : vector<256x512xf32>
    %reduce_min3A_242 = arith.constant dense<0x7F800000> : vector<256xf32>
    %reduce_min3A_243 = vector.multi_reduction <minimumf>, %add3A_241, %reduce_min3A_242 [1] : vector<256x512xf32> to vector<256xf32>
    %broadcast_in_dim3A_244 = vector.shape_cast %reduce_min3A_243 : vector<256xf32> to vector<256x1xf32>
    %lt3A_245 = arith.cmpf olt, %broadcast_in_dim3A_244, %broadcast_in_dim3A_222 : vector<256x1xf32>
    %select_n3A_246 = arith.select %lt3A_245, %broadcast_in_dim3A_244, %broadcast_in_dim3A_222 : vector<256x1xi1>, vector<256x1xf32>
    %jit3A_247 = arith.constant 8 : i32
    %broadcast_in_dim3A_248 = vector.broadcast %jit3A_247 : i32 to vector<256x1xi32>
    %select_n3A_249 = arith.select %lt3A_245, %broadcast_in_dim3A_248, %broadcast_in_dim3A_224 : vector<256x1xi1>, vector<256x1xi32>
    %broadcast_in_dim3A_250 = vector.shape_cast %lt3A_245 : vector<256x1xi1> to vector<256x1xi1>
    %broadcast_in_dim3A_251 = vector.broadcast %broadcast_in_dim3A_250 : vector<256x1xi1> to vector<256x512xi1>
    %select_n3A_252 = arith.select %broadcast_in_dim3A_251, %add3A_241, %broadcast_in_dim3A_226 : vector<256x512xi1>, vector<256x512xf32>
    %get3A_253 = arith.constant 4608 : index
    %get3A_254 = arith.constant 0 : index
    %get3A_255 = vector.load %arg3[%get3A_253, %get3A_254] : memref<8192x64xf32, #tpu.memory_space<vmem>>, vector<512x64xf32>
    %dot_general3A_256 = arith.constant dense<0.000000e+00> : vector<256x512xf32>
    %dot_general3A_257 = tpu.matmul %get3A_1, %get3A_255, %dot_general3A_256 {dimension_numbers = #tpu.dot_dimension_numbers<[1], [1], [0], [0], [0, 0, 1, 0], [], []>, transpose_lhs_hint = false} : vector<256x64xf32>, vector<512x64xf32>, vector<256x512xf32> -> vector<256x512xf32>
    %mul3A_258 = arith.constant 2.000000e+00 : f32
    %mul3A_259 = vector.broadcast %mul3A_258 : f32 to vector<256x512xf32>
    %mul3A_260 = arith.mulf %mul3A_259, %dot_general3A_257 : vector<256x512xf32>
    %sub3A_261 = vector.broadcast %get3A_4 : vector<256x1xf32> to vector<256x512xf32>
    %sub3A_262 = arith.subf %sub3A_261, %mul3A_260 : vector<256x512xf32>
    %get3A_263 = arith.constant 0 : index
    %get3A_264 = arith.constant 4608 : index
    %get3A_265 = vector.load %arg4[%get3A_263, %get3A_264] : memref<1x8192xf32, #tpu.memory_space<vmem>>, vector<1x512xf32>
    %add3A_266 = vector.broadcast %get3A_265 : vector<1x512xf32> to vector<256x512xf32>
    %add3A_267 = arith.addf %sub3A_262, %add3A_266 : vector<256x512xf32>
    %reduce_min3A_268 = arith.constant dense<0x7F800000> : vector<256xf32>
    %reduce_min3A_269 = vector.multi_reduction <minimumf>, %add3A_267, %reduce_min3A_268 [1] : vector<256x512xf32> to vector<256xf32>
    %broadcast_in_dim3A_270 = vector.shape_cast %reduce_min3A_269 : vector<256xf32> to vector<256x1xf32>
    %lt3A_271 = arith.cmpf olt, %broadcast_in_dim3A_270, %select_n3A_246 : vector<256x1xf32>
    %select_n3A_272 = arith.select %lt3A_271, %broadcast_in_dim3A_270, %select_n3A_246 : vector<256x1xi1>, vector<256x1xf32>
    %jit3A_273 = arith.constant 9 : i32
    %broadcast_in_dim3A_274 = vector.broadcast %jit3A_273 : i32 to vector<256x1xi32>
    %select_n3A_275 = arith.select %lt3A_271, %broadcast_in_dim3A_274, %select_n3A_249 : vector<256x1xi1>, vector<256x1xi32>
    %broadcast_in_dim3A_276 = vector.shape_cast %lt3A_271 : vector<256x1xi1> to vector<256x1xi1>
    %broadcast_in_dim3A_277 = vector.broadcast %broadcast_in_dim3A_276 : vector<256x1xi1> to vector<256x512xi1>
    %select_n3A_278 = arith.select %broadcast_in_dim3A_277, %add3A_267, %select_n3A_252 : vector<256x512xi1>, vector<256x512xf32>
    %get3A_279 = arith.constant 5120 : index
    %get3A_280 = arith.constant 0 : index
    %get3A_281 = vector.load %arg3[%get3A_279, %get3A_280] : memref<8192x64xf32, #tpu.memory_space<vmem>>, vector<512x64xf32>
    %dot_general3A_282 = arith.constant dense<0.000000e+00> : vector<256x512xf32>
    %dot_general3A_283 = tpu.matmul %get3A_1, %get3A_281, %dot_general3A_282 {dimension_numbers = #tpu.dot_dimension_numbers<[1], [1], [0], [0], [0, 0, 1, 0], [], []>, transpose_lhs_hint = false} : vector<256x64xf32>, vector<512x64xf32>, vector<256x512xf32> -> vector<256x512xf32>
    %mul3A_284 = arith.constant 2.000000e+00 : f32
    %mul3A_285 = vector.broadcast %mul3A_284 : f32 to vector<256x512xf32>
    %mul3A_286 = arith.mulf %mul3A_285, %dot_general3A_283 : vector<256x512xf32>
    %sub3A_287 = vector.broadcast %get3A_4 : vector<256x1xf32> to vector<256x512xf32>
    %sub3A_288 = arith.subf %sub3A_287, %mul3A_286 : vector<256x512xf32>
    %get3A_289 = arith.constant 0 : index
    %get3A_290 = arith.constant 5120 : index
    %get3A_291 = vector.load %arg4[%get3A_289, %get3A_290] : memref<1x8192xf32, #tpu.memory_space<vmem>>, vector<1x512xf32>
    %add3A_292 = vector.broadcast %get3A_291 : vector<1x512xf32> to vector<256x512xf32>
    %add3A_293 = arith.addf %sub3A_288, %add3A_292 : vector<256x512xf32>
    %reduce_min3A_294 = arith.constant dense<0x7F800000> : vector<256xf32>
    %reduce_min3A_295 = vector.multi_reduction <minimumf>, %add3A_293, %reduce_min3A_294 [1] : vector<256x512xf32> to vector<256xf32>
    %broadcast_in_dim3A_296 = vector.shape_cast %reduce_min3A_295 : vector<256xf32> to vector<256x1xf32>
    %lt3A_297 = arith.cmpf olt, %broadcast_in_dim3A_296, %select_n3A_272 : vector<256x1xf32>
    %select_n3A_298 = arith.select %lt3A_297, %broadcast_in_dim3A_296, %select_n3A_272 : vector<256x1xi1>, vector<256x1xf32>
    %jit3A_299 = arith.constant 10 : i32
    %broadcast_in_dim3A_300 = vector.broadcast %jit3A_299 : i32 to vector<256x1xi32>
    %select_n3A_301 = arith.select %lt3A_297, %broadcast_in_dim3A_300, %select_n3A_275 : vector<256x1xi1>, vector<256x1xi32>
    %broadcast_in_dim3A_302 = vector.shape_cast %lt3A_297 : vector<256x1xi1> to vector<256x1xi1>
    %broadcast_in_dim3A_303 = vector.broadcast %broadcast_in_dim3A_302 : vector<256x1xi1> to vector<256x512xi1>
    %select_n3A_304 = arith.select %broadcast_in_dim3A_303, %add3A_293, %select_n3A_278 : vector<256x512xi1>, vector<256x512xf32>
    %get3A_305 = arith.constant 5632 : index
    %get3A_306 = arith.constant 0 : index
    %get3A_307 = vector.load %arg3[%get3A_305, %get3A_306] : memref<8192x64xf32, #tpu.memory_space<vmem>>, vector<512x64xf32>
    %dot_general3A_308 = arith.constant dense<0.000000e+00> : vector<256x512xf32>
    %dot_general3A_309 = tpu.matmul %get3A_1, %get3A_307, %dot_general3A_308 {dimension_numbers = #tpu.dot_dimension_numbers<[1], [1], [0], [0], [0, 0, 1, 0], [], []>, transpose_lhs_hint = false} : vector<256x64xf32>, vector<512x64xf32>, vector<256x512xf32> -> vector<256x512xf32>
    %mul3A_310 = arith.constant 2.000000e+00 : f32
    %mul3A_311 = vector.broadcast %mul3A_310 : f32 to vector<256x512xf32>
    %mul3A_312 = arith.mulf %mul3A_311, %dot_general3A_309 : vector<256x512xf32>
    %sub3A_313 = vector.broadcast %get3A_4 : vector<256x1xf32> to vector<256x512xf32>
    %sub3A_314 = arith.subf %sub3A_313, %mul3A_312 : vector<256x512xf32>
    %get3A_315 = arith.constant 0 : index
    %get3A_316 = arith.constant 5632 : index
    %get3A_317 = vector.load %arg4[%get3A_315, %get3A_316] : memref<1x8192xf32, #tpu.memory_space<vmem>>, vector<1x512xf32>
    %add3A_318 = vector.broadcast %get3A_317 : vector<1x512xf32> to vector<256x512xf32>
    %add3A_319 = arith.addf %sub3A_314, %add3A_318 : vector<256x512xf32>
    %reduce_min3A_320 = arith.constant dense<0x7F800000> : vector<256xf32>
    %reduce_min3A_321 = vector.multi_reduction <minimumf>, %add3A_319, %reduce_min3A_320 [1] : vector<256x512xf32> to vector<256xf32>
    %broadcast_in_dim3A_322 = vector.shape_cast %reduce_min3A_321 : vector<256xf32> to vector<256x1xf32>
    %lt3A_323 = arith.cmpf olt, %broadcast_in_dim3A_322, %select_n3A_298 : vector<256x1xf32>
    %select_n3A_324 = arith.select %lt3A_323, %broadcast_in_dim3A_322, %select_n3A_298 : vector<256x1xi1>, vector<256x1xf32>
    %jit3A_325 = arith.constant 11 : i32
    %broadcast_in_dim3A_326 = vector.broadcast %jit3A_325 : i32 to vector<256x1xi32>
    %select_n3A_327 = arith.select %lt3A_323, %broadcast_in_dim3A_326, %select_n3A_301 : vector<256x1xi1>, vector<256x1xi32>
    %broadcast_in_dim3A_328 = vector.shape_cast %lt3A_323 : vector<256x1xi1> to vector<256x1xi1>
    %broadcast_in_dim3A_329 = vector.broadcast %broadcast_in_dim3A_328 : vector<256x1xi1> to vector<256x512xi1>
    %select_n3A_330 = arith.select %broadcast_in_dim3A_329, %add3A_319, %select_n3A_304 : vector<256x512xi1>, vector<256x512xf32>
    %get3A_331 = arith.constant 6144 : index
    %get3A_332 = arith.constant 0 : index
    %get3A_333 = vector.load %arg3[%get3A_331, %get3A_332] : memref<8192x64xf32, #tpu.memory_space<vmem>>, vector<512x64xf32>
    %dot_general3A_334 = arith.constant dense<0.000000e+00> : vector<256x512xf32>
    %dot_general3A_335 = tpu.matmul %get3A_1, %get3A_333, %dot_general3A_334 {dimension_numbers = #tpu.dot_dimension_numbers<[1], [1], [0], [0], [0, 0, 1, 0], [], []>, transpose_lhs_hint = false} : vector<256x64xf32>, vector<512x64xf32>, vector<256x512xf32> -> vector<256x512xf32>
    %mul3A_336 = arith.constant 2.000000e+00 : f32
    %mul3A_337 = vector.broadcast %mul3A_336 : f32 to vector<256x512xf32>
    %mul3A_338 = arith.mulf %mul3A_337, %dot_general3A_335 : vector<256x512xf32>
    %sub3A_339 = vector.broadcast %get3A_4 : vector<256x1xf32> to vector<256x512xf32>
    %sub3A_340 = arith.subf %sub3A_339, %mul3A_338 : vector<256x512xf32>
    %get3A_341 = arith.constant 0 : index
    %get3A_342 = arith.constant 6144 : index
    %get3A_343 = vector.load %arg4[%get3A_341, %get3A_342] : memref<1x8192xf32, #tpu.memory_space<vmem>>, vector<1x512xf32>
    %add3A_344 = vector.broadcast %get3A_343 : vector<1x512xf32> to vector<256x512xf32>
    %add3A_345 = arith.addf %sub3A_340, %add3A_344 : vector<256x512xf32>
    %reduce_min3A_346 = arith.constant dense<0x7F800000> : vector<256xf32>
    %reduce_min3A_347 = vector.multi_reduction <minimumf>, %add3A_345, %reduce_min3A_346 [1] : vector<256x512xf32> to vector<256xf32>
    %broadcast_in_dim3A_348 = vector.shape_cast %reduce_min3A_347 : vector<256xf32> to vector<256x1xf32>
    %lt3A_349 = arith.cmpf olt, %broadcast_in_dim3A_348, %select_n3A_324 : vector<256x1xf32>
    %select_n3A_350 = arith.select %lt3A_349, %broadcast_in_dim3A_348, %select_n3A_324 : vector<256x1xi1>, vector<256x1xf32>
    %jit3A_351 = arith.constant 12 : i32
    %broadcast_in_dim3A_352 = vector.broadcast %jit3A_351 : i32 to vector<256x1xi32>
    %select_n3A_353 = arith.select %lt3A_349, %broadcast_in_dim3A_352, %select_n3A_327 : vector<256x1xi1>, vector<256x1xi32>
    %broadcast_in_dim3A_354 = vector.shape_cast %lt3A_349 : vector<256x1xi1> to vector<256x1xi1>
    %broadcast_in_dim3A_355 = vector.broadcast %broadcast_in_dim3A_354 : vector<256x1xi1> to vector<256x512xi1>
    %select_n3A_356 = arith.select %broadcast_in_dim3A_355, %add3A_345, %select_n3A_330 : vector<256x512xi1>, vector<256x512xf32>
    %get3A_357 = arith.constant 6656 : index
    %get3A_358 = arith.constant 0 : index
    %get3A_359 = vector.load %arg3[%get3A_357, %get3A_358] : memref<8192x64xf32, #tpu.memory_space<vmem>>, vector<512x64xf32>
    %dot_general3A_360 = arith.constant dense<0.000000e+00> : vector<256x512xf32>
    %dot_general3A_361 = tpu.matmul %get3A_1, %get3A_359, %dot_general3A_360 {dimension_numbers = #tpu.dot_dimension_numbers<[1], [1], [0], [0], [0, 0, 1, 0], [], []>, transpose_lhs_hint = false} : vector<256x64xf32>, vector<512x64xf32>, vector<256x512xf32> -> vector<256x512xf32>
    %mul3A_362 = arith.constant 2.000000e+00 : f32
    %mul3A_363 = vector.broadcast %mul3A_362 : f32 to vector<256x512xf32>
    %mul3A_364 = arith.mulf %mul3A_363, %dot_general3A_361 : vector<256x512xf32>
    %sub3A_365 = vector.broadcast %get3A_4 : vector<256x1xf32> to vector<256x512xf32>
    %sub3A_366 = arith.subf %sub3A_365, %mul3A_364 : vector<256x512xf32>
    %get3A_367 = arith.constant 0 : index
    %get3A_368 = arith.constant 6656 : index
    %get3A_369 = vector.load %arg4[%get3A_367, %get3A_368] : memref<1x8192xf32, #tpu.memory_space<vmem>>, vector<1x512xf32>
    %add3A_370 = vector.broadcast %get3A_369 : vector<1x512xf32> to vector<256x512xf32>
    %add3A_371 = arith.addf %sub3A_366, %add3A_370 : vector<256x512xf32>
    %reduce_min3A_372 = arith.constant dense<0x7F800000> : vector<256xf32>
    %reduce_min3A_373 = vector.multi_reduction <minimumf>, %add3A_371, %reduce_min3A_372 [1] : vector<256x512xf32> to vector<256xf32>
    %broadcast_in_dim3A_374 = vector.shape_cast %reduce_min3A_373 : vector<256xf32> to vector<256x1xf32>
    %lt3A_375 = arith.cmpf olt, %broadcast_in_dim3A_374, %select_n3A_350 : vector<256x1xf32>
    %select_n3A_376 = arith.select %lt3A_375, %broadcast_in_dim3A_374, %select_n3A_350 : vector<256x1xi1>, vector<256x1xf32>
    %jit3A_377 = arith.constant 13 : i32
    %broadcast_in_dim3A_378 = vector.broadcast %jit3A_377 : i32 to vector<256x1xi32>
    %select_n3A_379 = arith.select %lt3A_375, %broadcast_in_dim3A_378, %select_n3A_353 : vector<256x1xi1>, vector<256x1xi32>
    %broadcast_in_dim3A_380 = vector.shape_cast %lt3A_375 : vector<256x1xi1> to vector<256x1xi1>
    %broadcast_in_dim3A_381 = vector.broadcast %broadcast_in_dim3A_380 : vector<256x1xi1> to vector<256x512xi1>
    %select_n3A_382 = arith.select %broadcast_in_dim3A_381, %add3A_371, %select_n3A_356 : vector<256x512xi1>, vector<256x512xf32>
    %get3A_383 = arith.constant 7168 : index
    %get3A_384 = arith.constant 0 : index
    %get3A_385 = vector.load %arg3[%get3A_383, %get3A_384] : memref<8192x64xf32, #tpu.memory_space<vmem>>, vector<512x64xf32>
    %dot_general3A_386 = arith.constant dense<0.000000e+00> : vector<256x512xf32>
    %dot_general3A_387 = tpu.matmul %get3A_1, %get3A_385, %dot_general3A_386 {dimension_numbers = #tpu.dot_dimension_numbers<[1], [1], [0], [0], [0, 0, 1, 0], [], []>, transpose_lhs_hint = false} : vector<256x64xf32>, vector<512x64xf32>, vector<256x512xf32> -> vector<256x512xf32>
    %mul3A_388 = arith.constant 2.000000e+00 : f32
    %mul3A_389 = vector.broadcast %mul3A_388 : f32 to vector<256x512xf32>
    %mul3A_390 = arith.mulf %mul3A_389, %dot_general3A_387 : vector<256x512xf32>
    %sub3A_391 = vector.broadcast %get3A_4 : vector<256x1xf32> to vector<256x512xf32>
    %sub3A_392 = arith.subf %sub3A_391, %mul3A_390 : vector<256x512xf32>
    %get3A_393 = arith.constant 0 : index
    %get3A_394 = arith.constant 7168 : index
    %get3A_395 = vector.load %arg4[%get3A_393, %get3A_394] : memref<1x8192xf32, #tpu.memory_space<vmem>>, vector<1x512xf32>
    %add3A_396 = vector.broadcast %get3A_395 : vector<1x512xf32> to vector<256x512xf32>
    %add3A_397 = arith.addf %sub3A_392, %add3A_396 : vector<256x512xf32>
    %reduce_min3A_398 = arith.constant dense<0x7F800000> : vector<256xf32>
    %reduce_min3A_399 = vector.multi_reduction <minimumf>, %add3A_397, %reduce_min3A_398 [1] : vector<256x512xf32> to vector<256xf32>
    %broadcast_in_dim3A_400 = vector.shape_cast %reduce_min3A_399 : vector<256xf32> to vector<256x1xf32>
    %lt3A_401 = arith.cmpf olt, %broadcast_in_dim3A_400, %select_n3A_376 : vector<256x1xf32>
    %select_n3A_402 = arith.select %lt3A_401, %broadcast_in_dim3A_400, %select_n3A_376 : vector<256x1xi1>, vector<256x1xf32>
    %jit3A_403 = arith.constant 14 : i32
    %broadcast_in_dim3A_404 = vector.broadcast %jit3A_403 : i32 to vector<256x1xi32>
    %select_n3A_405 = arith.select %lt3A_401, %broadcast_in_dim3A_404, %select_n3A_379 : vector<256x1xi1>, vector<256x1xi32>
    %broadcast_in_dim3A_406 = vector.shape_cast %lt3A_401 : vector<256x1xi1> to vector<256x1xi1>
    %broadcast_in_dim3A_407 = vector.broadcast %broadcast_in_dim3A_406 : vector<256x1xi1> to vector<256x512xi1>
    %select_n3A_408 = arith.select %broadcast_in_dim3A_407, %add3A_397, %select_n3A_382 : vector<256x512xi1>, vector<256x512xf32>
    %get3A_409 = arith.constant 7680 : index
    %get3A_410 = arith.constant 0 : index
    %get3A_411 = vector.load %arg3[%get3A_409, %get3A_410] : memref<8192x64xf32, #tpu.memory_space<vmem>>, vector<512x64xf32>
    %dot_general3A_412 = arith.constant dense<0.000000e+00> : vector<256x512xf32>
    %dot_general3A_413 = tpu.matmul %get3A_1, %get3A_411, %dot_general3A_412 {dimension_numbers = #tpu.dot_dimension_numbers<[1], [1], [0], [0], [0, 0, 1, 0], [], []>, transpose_lhs_hint = false} : vector<256x64xf32>, vector<512x64xf32>, vector<256x512xf32> -> vector<256x512xf32>
    %mul3A_414 = arith.constant 2.000000e+00 : f32
    %mul3A_415 = vector.broadcast %mul3A_414 : f32 to vector<256x512xf32>
    %mul3A_416 = arith.mulf %mul3A_415, %dot_general3A_413 : vector<256x512xf32>
    %sub3A_417 = vector.broadcast %get3A_4 : vector<256x1xf32> to vector<256x512xf32>
    %sub3A_418 = arith.subf %sub3A_417, %mul3A_416 : vector<256x512xf32>
    %get3A_419 = arith.constant 0 : index
    %get3A_420 = arith.constant 7680 : index
    %get3A_421 = vector.load %arg4[%get3A_419, %get3A_420] : memref<1x8192xf32, #tpu.memory_space<vmem>>, vector<1x512xf32>
    %add3A_422 = vector.broadcast %get3A_421 : vector<1x512xf32> to vector<256x512xf32>
    %add3A_423 = arith.addf %sub3A_418, %add3A_422 : vector<256x512xf32>
    %reduce_min3A_424 = arith.constant dense<0x7F800000> : vector<256xf32>
    %reduce_min3A_425 = vector.multi_reduction <minimumf>, %add3A_423, %reduce_min3A_424 [1] : vector<256x512xf32> to vector<256xf32>
    %broadcast_in_dim3A_426 = vector.shape_cast %reduce_min3A_425 : vector<256xf32> to vector<256x1xf32>
    %lt3A_427 = arith.cmpf olt, %broadcast_in_dim3A_426, %select_n3A_402 : vector<256x1xf32>
    %select_n3A_428 = arith.select %lt3A_427, %broadcast_in_dim3A_426, %select_n3A_402 : vector<256x1xi1>, vector<256x1xf32>
    %jit3A_429 = arith.constant 15 : i32
    %broadcast_in_dim3A_430 = vector.broadcast %jit3A_429 : i32 to vector<256x1xi32>
    %select_n3A_431 = arith.select %lt3A_427, %broadcast_in_dim3A_430, %select_n3A_405 : vector<256x1xi1>, vector<256x1xi32>
    %broadcast_in_dim3A_432 = vector.shape_cast %lt3A_427 : vector<256x1xi1> to vector<256x1xi1>
    %broadcast_in_dim3A_433 = vector.broadcast %broadcast_in_dim3A_432 : vector<256x1xi1> to vector<256x512xi1>
    %select_n3A_434 = arith.select %broadcast_in_dim3A_433, %add3A_423, %select_n3A_408 : vector<256x512xi1>, vector<256x512xf32>
    %iota3A_435 = tpu.iota {dimensions = array<i32: 1>} : vector<256x512xi32>
    %eq3A_436 = vector.broadcast %select_n3A_428 : vector<256x1xf32> to vector<256x512xf32>
    %eq3A_437 = arith.cmpf oeq, %select_n3A_434, %eq3A_436 : vector<256x512xf32>
    %jit3A_438 = arith.constant 8192 : i32
    %broadcast_in_dim3A_439 = vector.broadcast %jit3A_438 : i32 to vector<256x512xi32>
    %select_n3A_440 = arith.select %eq3A_437, %iota3A_435, %broadcast_in_dim3A_439 : vector<256x512xi1>, vector<256x512xi32>
    %reduce_min3A_441 = arith.constant dense<2147483647> : vector<256xi32>
    %reduce_min3A_442 = vector.multi_reduction <minsi>, %select_n3A_440, %reduce_min3A_441 [1] : vector<256x512xi32> to vector<256xi32>
    %broadcast_in_dim3A_443 = vector.shape_cast %reduce_min3A_442 : vector<256xi32> to vector<256x1xi32>
    %mul3A_444 = arith.constant 512 : i32
    %mul3A_445 = vector.broadcast %mul3A_444 : i32 to vector<256x1xi32>
    %mul3A_446 = arith.muli %select_n3A_431, %mul3A_445 : vector<256x1xi32>
    %add3A_447 = arith.addi %mul3A_446, %broadcast_in_dim3A_443 : vector<256x1xi32>
    %convert_element_type3A = arith.truncf %select_n3A_203 : vector<256x1xf32> to vector<256x1xbf16>
    %convert_element_type3A_448 = arith.extf %convert_element_type3A : vector<256x1xbf16> to vector<256x1xf32>
    %lt3A_449 = arith.cmpf olt, %select_n3A_428, %convert_element_type3A_448 : vector<256x1xf32>
    %select_n3A_450 = arith.select %lt3A_449, %add3A_447, %add3A_220 : vector<256x1xi1>, vector<256x1xi32>
    %swap3A = arith.constant 0 : index
    %swap3A_451 = arith.constant 0 : index
    %swap3A_452 = vector.load %arg5[%swap3A, %swap3A_451] : memref<256x1xi32, #tpu.memory_space<vmem>>, vector<256x1xi32>
    tpu.vector_store %arg5[%swap3A, %swap3A_451], %select_n3A_450 {strides = array<i32>} : memref<256x1xi32, #tpu.memory_space<vmem>>, vector<256x1xi32>,
    %select_n3A_453 = arith.select %lt3A_449, %select_n3A_428, %select_n3A_203 : vector<256x1xi1>, vector<256x1xf32>
    %eq3A_454 = arith.constant 0 : i32
    %eq3A_455 = arith.cmpi eq, %arg0, %eq3A_454 : i32
    %convert_element_type3A_456 = arith.extui %eq3A_455 : i1 to i32
    %cond3A = arith.constant 0 : i32
    %cond3A_457 = arith.cmpi ne, %convert_element_type3A_456, %cond3A : i32
    scf.if %cond3A_457 {
      %swap3A_474 = arith.constant 0.000000e+00 : f32
      %swap3A_475 = arith.constant 0 : index
      %swap3A_476 = arith.constant 0 : index
      %swap3A_477 = memref.load %arg6[%swap3A_475, %swap3A_476] : memref<1x1xf32, #tpu.memory_space<smem>>
      memref.store %swap3A_474, %arg6[%swap3A_475, %swap3A_476] : memref<1x1xf32, #tpu.memory_space<smem>>
    } else {
    }
    %get3A_458 = arith.constant 0 : index
    %get3A_459 = arith.constant 0 : index
    %get3A_460 = memref.load %arg6[%get3A_458, %get3A_459] : memref<1x1xf32, #tpu.memory_space<smem>>
    %reduce_sum3A = vector.shape_cast %select_n3A_453 : vector<256x1xf32> to vector<1x256x1xf32>
    %reduce_sum3A_461 = arith.constant dense<0.000000e+00> : vector<1xf32>
    %reduce_sum3A_462 = vector.multi_reduction <add>, %reduce_sum3A, %reduce_sum3A_461 [1, 2] : vector<1x256x1xf32> to vector<1xf32>
    %reduce_sum3A_463 = vector.shape_cast %reduce_sum3A_462 : vector<1xf32> to vector<1x1x1xf32>
    %reduce_sum3A_464 = vector.extract %reduce_sum3A_463[0, 0, 0] : f32 from vector<1x1x1xf32>
    %add3A_465 = arith.addf %get3A_460, %reduce_sum3A_464 : f32
    %swap3A_466 = arith.constant 0 : index
    %swap3A_467 = arith.constant 0 : index
    %swap3A_468 = memref.load %arg6[%swap3A_466, %swap3A_467] : memref<1x1xf32, #tpu.memory_space<smem>>
    memref.store %add3A_465, %arg6[%swap3A_466, %swap3A_467] : memref<1x1xf32, #tpu.memory_space<smem>>
    %eq3A_469 = arith.constant 63 : i32
    %eq3A_470 = arith.cmpi eq, %arg0, %eq3A_469 : i32
    %convert_element_type3A_471 = arith.extui %eq3A_470 : i1 to i32
    %cond3A_472 = arith.constant 0 : i32
    %cond3A_473 = arith.cmpi ne, %convert_element_type3A_471, %cond3A_472 : i32
    scf.if %cond3A_473 {
      %get3A_474 = arith.constant 0 : index
      %get3A_475 = arith.constant 0 : index
      %get3A_476 = memref.load %arg6[%get3A_474, %get3A_475] : memref<1x1xf32, #tpu.memory_space<smem>>
      %mul3A_477 = arith.constant 2.38418579E-7 : f32
      %mul3A_478 = arith.mulf %get3A_476, %mul3A_477 : f32
      %swap3A_479 = arith.constant 0 : index
      %swap3A_480 = arith.constant 0 : index
      %swap3A_481 = memref.load %arg6[%swap3A_479, %swap3A_480] : memref<1x1xf32, #tpu.memory_space<smem>>
      memref.store %mul3A_478, %arg6[%swap3A_479, %swap3A_480] : memref<1x1xf32, #tpu.memory_space<smem>>
    } else {
    }
    return
  }
  func.func @transform_0(%arg0: i32) -> (i32, i32) {
    %c0_i32 = arith.constant 0 : i32
    %c0_i32_0 = arith.constant 0 : i32
    return %arg0, %c0_i32 : i32, i32
  }
  func.func @transform_1(%arg0: i32) -> (i32, i32) {
    %c0_i32 = arith.constant 0 : i32
    %c0_i32_0 = arith.constant 0 : i32
    return %arg0, %c0_i32 : i32, i32
  }
  func.func @transform_2(%arg0: i32) -> (i32, i32) {
    %c0_i32 = arith.constant 0 : i32
    %c0_i32_0 = arith.constant 0 : i32
    %c0_i32_1 = arith.constant 0 : i32
    return %c0_i32, %c0_i32_0 : i32, i32
  }
  func.func @transform_3(%arg0: i32) -> (i32, i32) {
    %c0_i32 = arith.constant 0 : i32
    %c0_i32_0 = arith.constant 0 : i32
    %c0_i32_1 = arith.constant 0 : i32
    return %c0_i32, %c0_i32_0 : i32, i32
  }
  func.func @transform_4(%arg0: i32) -> (i32, i32) {
    %c0_i32 = arith.constant 0 : i32
    %c0_i32_0 = arith.constant 0 : i32
    return %arg0, %c0_i32 : i32, i32
  }
  func.func @transform_5(%arg0: i32) -> (i32, i32) {
    %c0_i32 = arith.constant 0 : i32
    %c0_i32_0 = arith.constant 0 : i32
    %c0_i32_1 = arith.constant 0 : i32
    return %c0_i32, %c0_i32_0 : i32, i32
  }
}

</mosaic_0001>

<sc_bundles>
// kernel: kernel.4.cloned.1.call-start
scs
__scs_entry_jumppad:
0x0: {  	(pc) =	sbr.rel $0x88, $3  }
0x1: {  	(tag) =	ssettag $0x0;
	lr =	simm.s32 $0x1  }
0x2: {  	[smem:$0x3F9F] =	sst lr;
	_ =	strace $0xD0000000  }
0x3: {  	_ = 	snop  }
0x4: {  	_ = 	snop  }
0x5: {  	_ = 	snop  }
0x6: {  	_ = 	snop  }
0x7: {  	_ = 	snop  }
__scs_overlays_trampoline_lowered:
0x8: {  	[smem:$0x3FAE] =	sst s0  }
0x9: {  	[smem:$0x3FAF] =	sst s1  }
0xa: {  	[smem:$0x3FB0] =	sst s2  }
0xb: {  	[smem:$0x3FB1] =	sst s3  }
0xc: {  	[smem:$0x3FB2] =	sst s4  }
0xd: {  	[smem:$0x3FB3] =	sst s5  }
0xe: {  	[smem:$0x3FB4] =	sst s6  }
0xf: {  	[smem:$0x3FB5] =	sst s7  }
0x10: {  	[smem:$0x3FB6] =	sst s8  }
0x11: {  	[smem:$0x3FB7] =	sst s9;
	s0 =	simm.s32 @!p0 $0x0  }
0x12: {  	s1 =	sld [smem:$0x3F9D];
	s0 =	simm.s32 @p0 $0x1  }
0x13: {  	[smem:$0x3FB8] =	sst s0;
	s0 =	simm.s32 @!p1 $0x0  }
0x14: {  	s2 =	sld [smem:$0x3F9C];
	s0 =	simm.s32 @p1 $0x1  }
0x15: {  	[smem:$0x3FB9] =	sst s0;
	s0 =	simm.s32 @!p2 $0x0  }
0x16: {  	s3 =	sld [smem:$0x3FDB];
	s0 =	simm.s32 @p2 $0x1  }
0x17: {  	s4 =	simm.s32 $0x1BF5;
	[smem:$0x3FBB] =	sst s0  }
0x18: {  	s0 =	sld [smem:$0x3F9E];
	_ =	swait.ge [sflag:s4], $0x0  }
0x19: {  	s7 =	sld [smem:$0x3F9F]  }
0x1a: {  	s8 =	sadd.s32 $0xFFFFE003, lr  }
0x1b: {  	s9 =	sadd.s32 $0xFFFFFEF7, lr;
	s5 =	simm.s32 $0xFFFFFFFF;
	p2 =	slt.u32 s8, $0xFFFFF086  }
0x1c: {  	p1 =	slt.u32 s9, $0xF7A;
	s5 =	simm.s32 @!p2 $0x0  }
0x1d: {  	s5 =	simm.s32 @p1 $0x1;
	p0 =	seq.s32 s7, s2  }
0x1e: {  	s7 =	smul.u32 @!p0 $0xF7A, s2;
	p2 =	seq.s32 @!p0 s5, $0x0  }
0x1f: {  	s9 =	smul.u32 $0xF7A, s1;
	s8 =	simm.s32 @!p0 $0x1BF5;
	p2 =	por !p2, p0  }
0x20: {  	[sflag:s8] =	ssyncset.s32 @!p0 $0xFFFFF086;
	s6 =	sadd.s32 @!p0 s3, s7;
	s7 =	simm.s32 @!p0 $0x108  }
0x21: {  	s3 =	sadd.s32 s3, s9;
	s6 =	sadd.s32 @!p0 $0x88, s6;
	s7 =	simm.s32 @p2 $0x1082  }
0x22: {  	[simem:s7], [sflag:s8] =	dma.local @!p0 [hbm:s6], $0xF7A  }
0x23: {  	s9 =	sor.u32 $0xD0000000, s2;
	s6 =	simm.s32 $0x108;
	_ =	swait.ge @!p0 [sflag:s8], $0x0  }
0x24: {  	s3 =	sadd.s32 $0x88, s3;
	s6 =	simm.s32 @!p1 $0x1082;
	[sflag:s4] =	ssyncset.s32 $0xFFFFF086  }
0x25: {  	[simem:s6], [sflag:s4] =	dma.local [hbm:s3], $0xF7A  }
0x26: {  	[smem:$0x3F9F] =	sst s1;
	(tag) =	ssettag s2;
	_ =	strace s9  }
0x27: {  	s1 =	sld [smem:$0x3FAF]  }
0x28: {  	s2 =	sld [smem:$0x3FB0]  }
0x29: {  	s4 =	sld [smem:$0x3FB2]  }
0x2a: {  	p0 =	seq.s32 s5, $0x0;
	s5 =	sld [smem:$0x3FB3]  }
0x2b: {  	s6 =	sld [smem:$0x3FB4]  }
0x2c: {  	s7 =	sld [smem:$0x3FB5]  }
0x2d: {  	s3 =	simm.s32 $0x108;
	s8 =	sld [smem:$0x3FB6]  }
0x2e: {  	s3 =	simm.s32 @!p0 $0x1082;
	s9 =	sld [smem:$0x3FB7]  }
0x2f: {  	lr =	sadd.s32 s0, s3;
	s0 =	sld [smem:$0x3FAE]  }
0x30: {  	s3 =	sld [smem:$0x3FB1]  }
0x31: {  	[smem:$0x3FBA] =	sst s10  }
0x32: {  	s10 =	sld [smem:$0x3FB8];
	_ =	sdelay $0x3  }
0x33: {  	p0 =	seq.s32 s10, $0x1;
	s10 =	sld [smem:$0x3FBA];
	_ =	sdelay $0x3  }
0x34: {  	[smem:$0x3FBA] =	sst s10  }
0x35: {  	s10 =	sld [smem:$0x3FB9];
	_ =	sdelay $0x3  }
0x36: {  	p1 =	seq.s32 s10, $0x1;
	s10 =	sld [smem:$0x3FBA];
	_ =	sdelay $0x3  }
0x37: {  	[smem:$0x3FBA] =	sst s10  }
0x38: {  	s10 =	sld [smem:$0x3FBB]  }
0x39: {  	_ = 	snop;
	(pc) =	sbr.ind lr, $3  }
0x3a: {  	_ = 	snop  }
0x3b: {  	_ = 	snop  }
0x3c: {  	p2 =	seq.s32 s10, $0x1;
	s10 =	sld [smem:$0x3FBA]  }
0x3d: {  	_ =	shalt  }
0x3e: {  	_ =	shalt  }
0x3f: {  	_ =	shalt  }
0x40: {  	_ =	shalt  }
0x41: {  	_ =	shalt  }
0x42: {  	_ =	shalt  }
0x43: {  	_ =	shalt  }
0x44: {  	_ =	shalt  }
0x45: {  	_ =	shalt  }
0x46: {  	_ =	shalt  }
0x47: {  	_ =	shalt  }
0x48: {  	_ =	shalt  }
0x49: {  	_ =	shalt  }
0x4a: {  	_ =	shalt  }
0x4b: {  	_ =	shalt  }
0x4c: {  	_ =	shalt  }
0x4d: {  	_ =	shalt  }
0x4e: {  	_ =	shalt  }
0x4f: {  	_ =	shalt  }
0x50: {  	_ =	shalt  }
0x51: {  	_ =	shalt  }
0x52: {  	_ =	shalt  }
0x53: {  	_ =	shalt  }
0x54: {  	_ =	shalt  }
0x55: {  	_ =	shalt  }
0x56: {  	_ =	shalt  }
0x57: {  	_ =	shalt  }
0x58: {  	_ =	shalt  }
0x59: {  	_ =	shalt  }
0x5a: {  	_ =	shalt  }
0x5b: {  	_ =	shalt  }
0x5c: {  	_ =	shalt  }
0x5d: {  	_ =	shalt  }
0x5e: {  	_ =	shalt  }
0x5f: {  	_ =	shalt  }
0x60: {  	_ =	shalt  }
0x61: {  	_ =	shalt  }
0x62: {  	_ =	shalt  }
0x63: {  	_ =	shalt  }
0x64: {  	_ =	shalt  }
0x65: {  	_ =	shalt  }
0x66: {  	_ =	shalt  }
0x67: {  	_ =	shalt  }
0x68: {  	_ =	shalt  }
0x69: {  	_ =	shalt  }
0x6a: {  	_ =	shalt  }
0x6b: {  	_ =	shalt  }
0x6c: {  	_ =	shalt  }
0x6d: {  	_ =	shalt  }
0x6e: {  	_ =	shalt  }
0x6f: {  	_ =	shalt  }
0x70: {  	_ =	shalt  }
0x71: {  	_ =	shalt  }
0x72: {  	_ =	shalt  }
0x73: {  	_ =	shalt  }
0x74: {  	_ =	shalt  }
0x75: {  	_ =	shalt  }
0x76: {  	_ =	shalt  }
0x77: {  	_ =	shalt  }
0x78: {  	_ =	shalt  }
0x79: {  	_ =	shalt  }
0x7a: {  	_ =	shalt  }
0x7b: {  	_ =	shalt  }
0x7c: {  	_ =	shalt  }
0x7d: {  	_ =	shalt  }
0x7e: {  	_ =	shalt  }
0x7f: {  	_ =	shalt  }
0x80: {  	_ =	shalt  }
0x81: {  	_ =	shalt  }
0x82: {  	_ =	shalt  }
0x83: {  	_ =	shalt  }
0x84: {  	_ =	shalt  }
0x85: {  	_ =	shalt  }
0x86: {  	_ =	shalt  }
0x87: {  	_ =	shalt  }
.Lfunc_end0:
.L_simem_size_0:
called_computation_lowered:
.L_overlay_start_0:
0x88: {  	s2 =	sld [smem:$0x3FD9]  }
0x89: {  	s3 =	sld [smem:$0x3FFE];
	_ =	sdelay $0x1  }
0x8a: {  	s1 =	srdreg.scid  }
0x8b: {  	s0 =	sand.u32 $0x1, s1  }
0x8c: {  	s14 =	sshll.u32 s0, $0xA;
	s2 =	sadd.s32 s3, s2  }
0x8d: {  	s2 =	sadd.s32 s2, s14  }
0x8e: {  	[smem:$0x3FC6] =	sst s2  }
0x8f: {  	_ = 	snop  }
0x90: {  	s2 =	sld [smem:$0x3FD0];
	_ =	sdelay $0x2  }
0x91: {  	s15 =	simm.s32 $0xA;
	s4 =	simm.s32 $0x10  }
0x92: {  	[smem:s4], [sflag:s15] =	dma.local [hbm:s2], $0x1  }
0x93: {  	_ =	swait.eq [sflag:s15], $0x1  }
0x94: {  	[sflag:s15] =	ssyncset.done $0x0  }
0x95: {  	s16 =	sld [smem:$0x10];
	[sflag:s15] =	ssyncadd.s32 $0xFFFFFFFF  }
0x96: {  	s17 =	sld [smem:$0x11];
	(tm) =	ssettm $0x1  }
0x97: {  	s18 =	sld [smem:$0x3FFB];
	_ =	sdelay $0x3  }
0x98: {  	_ =	strace s18  }
0x99: {  	s4 =	sld [smem:$0x3FFC];
	_ =	sdelay $0x3  }
0x9a: {  	_ =	strace s4  }
0x9b: {  	s4 =	sld [smem:$0x3FFD];
	_ =	sdelay $0x3  }
0x9c: {  	_ =	strace s4  }
0x9d: {  	_ =	strace $0x8FFFFFFF  }
0x9e: {  	s19 =	sld [smem:$0x3FDB];
	_ =	sdelay $0x1  }
0x9f: {  	s5 =	simm.s32 $_scs_section_size  }
0xa0: {  	s6 =	simm.s32 $_size__tile_overlayer_lowered;
	s7 =	simm.s32 $_tile_overlayer_lowered  }
0xa1: {  	s22 =	simm.s32 $0x1BFF;
	s21 =	sshll.u32 s7, $0x1;
	s4 =	sadd.s32 s5, s19  }
0xa2: {  	s8 =	simm.s32 $0x0;
	s20 =	sshll.u32 s6, $0x1;
	s6 =	sadd.s32 s21, s4  }
0xa3: {  	[timem:s8], [sflag:s22] =	dma.local [hbm:s6], s20  }
0xa4: {  	_ =	swait.ge [sflag:s22], s20  }
0xa5: {  	s5 =	ssub.s32 $0x0, s20;
	[sflag:s22] =	ssyncset.done $0x0  }
0xa6: {  	[sflag:s22] =	ssyncadd.s32 s5;
	_ =	sdelay $0x1  }
0xa7: {  	s23 =	simm.s32 $0x1B8B  }
0xa8: {  	_ =	swait.ge [sflag:s23], $0x1  }
0xa9: {  	[sflag:s23] =	ssyncset.done $0x0  }
0xaa: {  	s25 =	simm.s32 $0x1B8E;
	s24 =	sld [smem:$0x3FFE];
	[sflag:s23] =	ssyncadd.s32 $0xFFFFFFFF  }
0xab: {  	s26 =	simm.s32 $execute0_lowered;
	[smem:$0x3FD2] =	sst s25  }
0xac: {  	s6 =	sshll.u32 s26, $0x1;
	_ =	strace $0x80000046;
	[dreg:$0x1] =	wrdreg $0xFFFFFFFF  }
0xad: {  	s28 =	simm.s32 $_size_execute0_lowered;
	s4 =	sadd.s32 s4, s6;
	[dreg:$0x0] =	wrdreg $0x0  }
0xae: {  	s6 =	sshll.u32 s28, $0x1;
	[dreg:$0x2] =	wrdreg s4  }
0xaf: {  	[dreg:$0x3] =	wrdreg s6  }
0xb0: {  	[dreg:$0x4] =	wrdreg $0xC0  }
0xb1: {  	_ =	task [dreg:s8], $0x5FFFF  }
0xb2: {  	[dreg:$0x1] =	wrdreg $0xFFFFFFFF  }
0xb3: {  	[dreg:$0x0] =	wrdreg $0x60  }
0xb4: {  	[dreg:$0x2] =	wrdreg s24  }
0xb5: {  	[dreg:$0x3] =	wrdreg s17  }
0xb6: {  	[dreg:$0x4] =	wrdreg s16  }
0xb7: {  	[dreg:$0x5] =	wrdreg $0x9  }
0xb8: {  	_ =	task.clear_ibuf [dreg:s8], $0x6FFFF;
	_ =	strace $0x90000046  }
0xb9: {  	s29 =	simm.s32 $0x9;
	_ =	strace $0x80000048  }
0xba: {  	_ =	swait.ge [sflag:s29], $0x1  }
0xbb: {  	[sflag:s29] =	ssyncadd.s32 $0xFFFFFFFF  }
0xbc: {  	_ =	strace $0x90000048  }
0xbd: {  	_ =	sfence  }
0xbe: {  	s30 =	sld [smem:$0x0];
	_ =	sdelay $0x2  }
0xbf: {  	s31 =	sshll.u32 s1, $0xD;
	s1 =	sshrl.u32 s1, $0x2  }
0xc0: {  	s3 =	sand.u32 $0x4000, s31;
	s1 =	sadd.s32 s1, s30  }
0xc1: {  	s0 =	sor.u32 s3, s0;
	s1 =	sshll.u32 s1, $0x11  }
0xc2: {  	s0 =	sor.u32 s1, s0  }
0xc3: {  	s0 =	sadd.s32 $0x8F2B, s0  }
0xc4: {  	[sflag:s0] =	ssyncadd.remote.s32 $0x1  }
0xc5: {  	_ =	sfence.sel $0xFFFF  }
0xc6: {  	[dreg:$0x0] =	wrdreg $0xFFFFFFFF;
	(pc) =	sbr.abs _section_cstart, $3  }
0xc7: {  	[dreg:$0x1] =	wrdreg $0xFFFFFFFF  }
0xc8: {  	_ =	task.clear_ibuf [dreg:s8], $0x2FFFF;
	_ =	strace $0x9FFFFFFF  }
0xc9: {  	(tm) =	ssettm $0x7FFFFFFF  }
tec
execute0_lowered:
.L_overlay_start_1:
0x0: {  	(tag) =	ssettag $0x1  }
0x1: {  	s11 =	rddreg [dreg:$0x0];
	s1 =	srdreg.scid  }
0x2: {  	s9 =	rddreg [dreg:$0x1];
	s0 =	stileid.u32;
	s19 =	sand.u32 $0x1, s1  }
0x3: {  	s20 =	rddreg [dreg:$0x2];
	s3 =	sshll.u32 s0, $0xA;
	s4 =	sshll.u32 s19, $0x9  }
0x4: {  	s2 =	simm.s32 $0x0;
	s1 =	rddreg [dreg:$0x3];
	s17 =	sor.u32 s4, s3  }
0x5: {  	[smem:$0x7FF] =	sst s2;
	s3 =	sshrl.u32 s17, $0x3  }
0x6: {  	_ =	strace $0x80000047;
	s4 =	sadd.s32 s9, s3;
	s3 =	simm.s32 $0x2  }
0x7: {  	[tilespmem:s2], [sflag:$0x2] =	stream.linear.gather [hbm4b:s4+s2], $0x80, $0x38;
	[tilespmem:$0x8200] =	vst v63  }
0x8: {  	s18 =	sor.u32 $0x80, s17;
	_ =	swait.ge [sflag:s3], $0x80  }
0x9: {  	s5 =	sshrl.u32 s18, $0x3;
	[sflag:s3] =	ssyncset.done $0x0  }
0xa: {  	s6 =	simm.s32 $0x80;
	s5 =	sadd.s32 s9, s5;
	[sflag:s3] =	ssyncadd.s32 $0xFFFFFF80  }
0xb: {  	[tilespmem:s6], [sflag:$0x2] =	stream.linear.gather [hbm4b:s5+s2], $0x80, $0x38;
	[tilespmem:$0x8200] =	vst v63  }
0xc: {  	s21 =	sor.u32 $0x100, s17;
	_ =	swait.ge [sflag:s3], $0x80  }
0xd: {  	s7 =	sshrl.u32 s21, $0x3;
	[sflag:s3] =	ssyncset.done $0x0  }
0xe: {  	s8 =	simm.s32 $0x100;
	s7 =	sadd.s32 s9, s7;
	[sflag:s3] =	ssyncadd.s32 $0xFFFFFF80  }
0xf: {  	[tilespmem:s8], [sflag:$0x2] =	stream.linear.gather [hbm4b:s7+s2], $0x80, $0x38;
	[tilespmem:$0x8200] =	vst v63  }
0x10: {  	s22 =	sor.u32 $0x180, s17;
	_ =	swait.ge [sflag:s3], $0x80  }
0x11: {  	s10 =	sshrl.u32 s22, $0x3;
	[sflag:s3] =	ssyncset.done $0x0  }
0x12: {  	s9 =	sadd.s32 s9, s10;
	s10 =	simm.s32 $0x180;
	[sflag:s3] =	ssyncadd.s32 $0xFFFFFF80  }
0x13: {  	[tilespmem:s10], [sflag:$0x2] =	stream.linear.gather [hbm4b:s9+s2], $0x80, $0x38;
	[tilespmem:$0x8200] =	vst v63  }
0x14: {  	_ =	swait.ge [sflag:s3], $0x80  }
0x15: {  	[sflag:s3] =	ssyncset.done $0x0  }
0x16: {  	s12 =	simm.s32 $0x200;
	s11 =	sadd.s32 $0x40000, s11;
	[sflag:s3] =	ssyncadd.s32 $0xFFFFFF80  }
0x17: {  	[tilespmem:s12], [sflag:$0x1] =	stream.indirect.gather [hbm4b:s11+s6], $0x40, s2, s6, $0xb8;
	[tilespmem:$0x8200] =	vst v63  }
0x18: {  	s13 =	simm.s32 $0x2200  }
0x19: {  	[tilespmem:s13], [sflag:$0x1] =	stream.indirect.gather [hbm4b:s11+s6], $0x40, s6, s6, $0xb8;
	[tilespmem:$0x8200] =	vst v63  }
0x1a: {  	s14 =	simm.s32 $0x4200  }
0x1b: {  	[tilespmem:s14], [sflag:$0x1] =	stream.indirect.gather [hbm4b:s11+s6], $0x40, s8, s6, $0xb8;
	[tilespmem:$0x8200] =	vst v63  }
0x1c: {  	s15 =	simm.s32 $0x6200;
	s16 =	simm.s32 $0x1  }
0x1d: {  	[tilespmem:s15], [sflag:$0x1] =	stream.indirect.gather [hbm4b:s11+s6], $0x40, s10, s6, $0xb8;
	[tilespmem:$0x8200] =	vst v63  }
0x1e: {  	_ =	swait.ge [sflag:s16], $0x2000  }
0x1f: {  	[sflag:s16] =	ssyncset.done $0x0  }
0x20: {  	[sflag:s16] =	ssyncadd.s32 $0xFFFFE000  }
0x21: {  	_ =	swait.ge [sflag:s16], $0x2000  }
0x22: {  	[sflag:s16] =	ssyncset.done $0x0  }
0x23: {  	[sflag:s16] =	ssyncadd.s32 $0xFFFFE000  }
0x24: {  	_ =	swait.ge [sflag:s16], $0x2000  }
0x25: {  	[sflag:s16] =	ssyncset.done $0x0  }
0x26: {  	[sflag:s16] =	ssyncadd.s32 $0xFFFFE000  }
0x27: {  	_ =	swait.ge [sflag:s16], $0x2000  }
0x28: {  	s17 =	sshll.u32 s17, $0x3;
	[sflag:s16] =	ssyncset.done $0x0  }
0x29: {  	s17 =	sadd.s32 s20, s17;
	[sflag:s16] =	ssyncadd.s32 $0xFFFFE000  }
0x2a: {  	[hbm4b:s17+s2] =	stream.linear.scatter [tilespmem:s12], [sflag:$0x2], $0x2000, $0x38;
	[tilespmem:$0x8200] =	vst v63  }
0x2b: {  	_ =	swait.ge [sflag:s3], $0x2000  }
0x2c: {  	s18 =	sshll.u32 s18, $0x3;
	[sflag:s3] =	ssyncset.done $0x0  }
0x2d: {  	s23 =	ssub.s32 $0x2, s19;
	s18 =	sadd.s32 s20, s18;
	[sflag:s3] =	ssyncadd.s32 $0xFFFFE000  }
0x2e: {  	[hbm4b:s18+s2] =	stream.linear.scatter [tilespmem:s13], [sflag:$0x2], $0x2000, $0x38;
	[tilespmem:$0x8200] =	vst v63  }
0x2f: {  	s31 =	sshrl.u32 s23, $0x1;
	s21 =	sshll.u32 s21, $0x3;
	_ =	swait.ge [sflag:s3], $0x2000  }
0x30: {  	s19 =	sadd.s32 s20, s21;
	s21 =	ssub.s32 s23, s31;
	[sflag:s3] =	ssyncset.done $0x0  }
0x31: {  	s21 =	smax.u32 s21, $0x1;
	[sflag:s3] =	ssyncadd.s32 $0xFFFFE000  }
0x32: {  	[hbm4b:s19+s2] =	stream.linear.scatter [tilespmem:s14], [sflag:$0x2], $0x2000, $0x38;
	[tilespmem:$0x8200] =	vst v63  }
0x33: {  	p0 =	sne.s32 s21, $0x1;
	_ =	swait.ge [sflag:s3], $0x2000  }
.Ltmp0:
0x34: {  	s22 =	sshll.u32 s22, $0x3;
	[sflag:s3] =	ssyncset.done $0x0;
	(pc) =	sbr.rel @!p0 .LBB2_2-.Ltmp0, $4  }
0x35: {  	s20 =	sadd.s32 s20, s22;
	[sflag:s3] =	ssyncadd.s32 $0xFFFFE000  }
0x36: {  	[hbm4b:s20+s2] =	stream.linear.scatter [tilespmem:s15], [sflag:$0x2], $0x2000, $0x38;
	[tilespmem:$0x8200] =	vst v63  }
0x37: {  	_ =	swait.ge [sflag:s3], $0x2000  }
0x38: {  	s21 =	sadd.s32 $0xFFFFFFFF, s21;
	[sflag:s3] =	ssyncset.done $0x0  }
.LBB2_1:
0x39: {  	p0 =	sne.s32 s21, $0x1;
	s21 =	sadd.s32 $0xFFFFFFFF, s21;
	[sflag:s3] =	ssyncadd.s32 $0xFFFFE000  }
0x3a: {  	[tilespmem:s2], [sflag:$0x2] =	stream.linear.gather [hbm4b:s4+s2], $0x80, $0x38;
	[tilespmem:$0x8200] =	vst v63  }
0x3b: {  	_ =	swait.ge [sflag:s3], $0x80  }
0x3c: {  	[sflag:s3] =	ssyncset.done $0x0  }
0x3d: {  	[sflag:s3] =	ssyncadd.s32 $0xFFFFFF80  }
0x3e: {  	[tilespmem:s6], [sflag:$0x2] =	stream.linear.gather [hbm4b:s5+s2], $0x80, $0x38;
	[tilespmem:$0x8200] =	vst v63  }
0x3f: {  	_ =	swait.ge [sflag:s3], $0x80  }
0x40: {  	[sflag:s3] =	ssyncset.done $0x0  }
0x41: {  	[sflag:s3] =	ssyncadd.s32 $0xFFFFFF80  }
0x42: {  	[tilespmem:s8], [sflag:$0x2] =	stream.linear.gather [hbm4b:s7+s2], $0x80, $0x38;
	[tilespmem:$0x8200] =	vst v63  }
0x43: {  	_ =	swait.ge [sflag:s3], $0x80  }
0x44: {  	[sflag:s3] =	ssyncset.done $0x0  }
0x45: {  	[sflag:s3] =	ssyncadd.s32 $0xFFFFFF80  }
0x46: {  	[tilespmem:s10], [sflag:$0x2] =	stream.linear.gather [hbm4b:s9+s2], $0x80, $0x38;
	[tilespmem:$0x8200] =	vst v63  }
0x47: {  	_ =	swait.ge [sflag:s3], $0x80  }
0x48: {  	[sflag:s3] =	ssyncset.done $0x0  }
0x49: {  	[sflag:s3] =	ssyncadd.s32 $0xFFFFFF80  }
0x4a: {  	[tilespmem:s12], [sflag:$0x1] =	stream.indirect.gather [hbm4b:s11+s6], $0x40, s2, s6, $0xb8;
	[tilespmem:$0x8200] =	vst v63  }
0x4b: {  	_ = 	snop  }
0x4c: {  	[tilespmem:s13], [sflag:$0x1] =	stream.indirect.gather [hbm4b:s11+s6], $0x40, s6, s6, $0xb8;
	[tilespmem:$0x8200] =	vst v63  }
0x4d: {  	_ = 	snop  }
0x4e: {  	[tilespmem:s14], [sflag:$0x1] =	stream.indirect.gather [hbm4b:s11+s6], $0x40, s8, s6, $0xb8;
	[tilespmem:$0x8200] =	vst v63  }
0x4f: {  	_ = 	snop  }
0x50: {  	[tilespmem:s15], [sflag:$0x1] =	stream.indirect.gather [hbm4b:s11+s6], $0x40, s10, s6, $0xb8;
	[tilespmem:$0x8200] =	vst v63  }
0x51: {  	_ =	swait.ge [sflag:s16], $0x2000  }
0x52: {  	[sflag:s16] =	ssyncset.done $0x0  }
0x53: {  	[sflag:s16] =	ssyncadd.s32 $0xFFFFE000  }
0x54: {  	_ =	swait.ge [sflag:s16], $0x2000  }
0x55: {  	[sflag:s16] =	ssyncset.done $0x0  }
0x56: {  	[sflag:s16] =	ssyncadd.s32 $0xFFFFE000  }
0x57: {  	_ =	swait.ge [sflag:s16], $0x2000  }
0x58: {  	[sflag:s16] =	ssyncset.done $0x0  }
0x59: {  	[sflag:s16] =	ssyncadd.s32 $0xFFFFE000  }
0x5a: {  	_ =	swait.ge [sflag:s16], $0x2000  }
0x5b: {  	[sflag:s16] =	ssyncset.done $0x0  }
0x5c: {  	[sflag:s16] =	ssyncadd.s32 $0xFFFFE000  }
0x5d: {  	[hbm4b:s17+s2] =	stream.linear.scatter [tilespmem:s12], [sflag:$0x2], $0x2000, $0x38;
	[tilespmem:$0x8200] =	vst v63  }
0x5e: {  	_ =	swait.ge [sflag:s3], $0x2000  }
0x5f: {  	[sflag:s3] =	ssyncset.done $0x0  }
0x60: {  	[sflag:s3] =	ssyncadd.s32 $0xFFFFE000  }
0x61: {  	[hbm4b:s18+s2] =	stream.linear.scatter [tilespmem:s13], [sflag:$0x2], $0x2000, $0x38;
	[tilespmem:$0x8200] =	vst v63  }
0x62: {  	_ =	swait.ge [sflag:s3], $0x2000  }
0x63: {  	[sflag:s3] =	ssyncset.done $0x0  }
0x64: {  	[sflag:s3] =	ssyncadd.s32 $0xFFFFE000  }
0x65: {  	[hbm4b:s19+s2] =	stream.linear.scatter [tilespmem:s14], [sflag:$0x2], $0x2000, $0x38;
	[tilespmem:$0x8200] =	vst v63  }
0x66: {  	_ =	swait.ge [sflag:s3], $0x2000  }
.Ltmp1:
0x67: {  	[sflag:s3] =	ssyncset.done $0x0;
	(pc) =	sbr.rel @p0 .LBB2_1-.Ltmp1, $4  }
0x68: {  	[sflag:s3] =	ssyncadd.s32 $0xFFFFE000  }
0x69: {  	[hbm4b:s20+s2] =	stream.linear.scatter [tilespmem:s15], [sflag:$0x2], $0x2000, $0x38;
	[tilespmem:$0x8200] =	vst v63  }
0x6a: {  	_ =	swait.ge [sflag:s3], $0x2000  }
0x6b: {  	[sflag:s3] =	ssyncset.done $0x0  }
.LBB2_2:
0x6c: {  	[sflag:s3] =	ssyncadd.s32 $0xFFFFE000  }
0x6d: {  	_ =	sfence.sel $0x180000  }
0x6e: {  	[bflag:$0x0] =	sbarrier.arrive $0xFFFF  }
0x6f: {  	p0 =	sne.s32 s0, $0x0;
	_ =	strace $0x90000047  }
0x70: {  	s0 =	sadd.s32 @!p0 $0x100000, s1;
	[bflag:$0x2] =	sbarrier.arrive $0xFFFF  }
0x71: {  	[sflag:s0] =	ssyncadd.tile.s32 @!p0 $0x1;
	_ =	shalt  }
.Lfunc_end2:
_tile_overlayer_lowered:
.L_overlay_start_2:
0x72: {  	(tag) =	ssettag $0x2  }
0x73: {  	s0 =	rddreg [dreg:$0x0];
	s2 =	stileid.u32  }
0x74: {  	s1 =	rddreg [dreg:$0x1];
	p0 =	sne.s32 s2, $0x0  }
0x75: {  	s3 =	rddreg [dreg:$0x2];
	[bflag:$0x3] =	sbarrier.arrive $0xFFFF;
	s2 =	simm.s32 @!p0 $0x1C02  }
0x76: {  	[timem:s3], [sflag:s2] =	dma.local @!p0 [hbm:s0], s1  }
0x77: {  	s0 =	simm.s32 @!p0 $0x2  }
0x78: {  	_ =	swait.ge @!p0 [sflag:s0], s1  }
0x79: {  	s1 =	ssub.s32 @!p0 $0x0, s1;
	[sflag:s0] =	ssyncset.done @!p0 $0x0  }
0x7a: {  	[sflag:s0] =	ssyncadd.s32 @!p0 s1  }
0x7b: {  	[bflag:$0x3] =	sbarrier.arrive $0xFFFF  }
0x7c: {  	_ =	shalt  }

</sc_bundles>
